<compile_context>
chip_gen: v7x
topology: tpu7x:2x2x1
jax: 0.10.2.dev20260603
libtpu: 0.0.44.dev20260713+nightly
codegen_flags: <defaults>
</compile_context>

<pallas_src>
import functools

import jax
import jax.numpy as jnp
from jax import lax
from jax.experimental import pallas as pl
from jax.experimental.pallas import tpu as pltpu
from jax.experimental.pallas import tpu_sc as plsc

N = 10000
E = 320000
D = 128

NC = 2
NS = 16
C = 128
NW = NC * NS
ECH = E // C
CH = 80
LAST_N = ECH - (NW - 1) * CH
CHS = 80
ECH_PAD = NW * CH
N_PAD = 10240
ZROWS = N_PAD // NS

_sc_mesh = plsc.VectorSubcoreMesh(core_axis_name="c", subcore_axis_name="s")


@functools.partial(
    pl.kernel,
    out_type=jax.ShapeDtypeStruct((NC, N_PAD, D), jnp.float32),
    mesh=_sc_mesh,
    scratch_types=[
        pltpu.VMEM((CHS * C,), jnp.int32),
        pltpu.VMEM((C,), jnp.int32),
        pltpu.VMEM((C,), jnp.int32),
        pltpu.VMEM((C, D), jnp.float32),
        pltpu.VMEM((C, D), jnp.float32),
        pltpu.VMEM_SHARED((N_PAD, D), jnp.float32),
        pltpu.SemaphoreType.DMA,
        pltpu.SemaphoreType.DMA,
        pltpu.SemaphoreType.DMA,
        pltpu.SemaphoreType.DMA,
    ],
)
def _sc_aggregate(x_hbm, edges_hbm, out_hbm, src_f, dst_ia, dst_ib, rows_a,
                  rows_b, acc_sh, sem_a, sem_b, sem_ia, sem_ib):
    c = lax.axis_index("c")
    s = lax.axis_index("s")

    wid = c * NS + s
    nch = jnp.where(wid == NW - 1, LAST_N, CH)

    def _idx(g):
        return edges_hbm.at[0, pl.ds((wid * CH + g) * C, C)]

    def _gather(g, buf, sem):
        pltpu.async_copy(x_hbm.at[src_f.at[pl.ds(g * C, C)]], buf, sem)

    def _pair_loop(goff, n):
        def _pair(k, carry):
            g = 2 * k
            pltpu.make_async_copy(_idx(goff + g), dst_ia, sem_ia).wait()
            pltpu.make_async_copy(x_hbm.at[src_f.at[pl.ds(g * C, C)]],
                                  rows_a, sem_a).wait()
            pltpu.sync_copy(rows_a, acc_sh.at[dst_ia], add=True)
            pltpu.async_copy(_idx(goff + g + 2), dst_ia, sem_ia)
            _gather(g + 2, rows_a, sem_a)
            pltpu.make_async_copy(_idx(goff + g + 1), dst_ib,
                                  sem_ib).wait()
            pltpu.make_async_copy(
                x_hbm.at[src_f.at[pl.ds((g + 1) * C, C)]], rows_b,
                sem_b).wait()
            pltpu.sync_copy(rows_b, acc_sh.at[dst_ib], add=True)
            pltpu.async_copy(_idx(goff + g + 3), dst_ib, sem_ib)
            _gather(g + 3, rows_b, sem_b)
            return carry

        lax.fori_loop(0, n // 2 - 1, _pair, 0)

        gl = n - 2
        pltpu.make_async_copy(_idx(goff + gl), dst_ia, sem_ia).wait()
        pltpu.make_async_copy(x_hbm.at[src_f.at[pl.ds(gl * C, C)]],
                              rows_a, sem_a).wait()
        pltpu.sync_copy(rows_a, acc_sh.at[dst_ia], add=True)
        pltpu.make_async_copy(_idx(goff + gl + 1), dst_ib, sem_ib).wait()
        pltpu.make_async_copy(
            x_hbm.at[src_f.at[pl.ds((gl + 1) * C, C)]], rows_b,
            sem_b).wait()
        pltpu.sync_copy(rows_b, acc_sh.at[dst_ib], add=True)

    zeros16 = jnp.zeros((16,), jnp.float32)

    def _zero_row(r, carry):
        for l in range(D // 16):
            rows_b[r, pl.ds(l * 16, 16)] = zeros16
        return carry

    lax.fori_loop(0, C, _zero_row, 0)

    @pl.when(wid < NW - 1)
    def _stage_full0():
        pltpu.sync_copy(edges_hbm.at[1, pl.ds(wid * CH * C, CHS * C)],
                        src_f)

    @pl.when(wid == NW - 1)
    def _stage_short0():
        pltpu.sync_copy(edges_hbm.at[1, pl.ds(wid * CH * C, LAST_N * C)],
                        src_f.at[pl.ds(0, LAST_N * C)])

    pltpu.async_copy(_idx(0), dst_ia, sem_ia)
    _gather(0, rows_a, sem_a)

    for k in range(ZROWS // C):
        pltpu.sync_copy(rows_b, acc_sh.at[pl.ds(s * ZROWS + k * C, C)])

    plsc.subcore_barrier()

    pltpu.async_copy(_idx(1), dst_ib, sem_ib)
    _gather(1, rows_b, sem_b)
    _pair_loop(0, nch)

    plsc.subcore_barrier()

    pltpu.sync_copy(acc_sh.at[pl.ds(s * ZROWS, ZROWS)],
                    out_hbm.at[c, pl.ds(s * ZROWS, ZROWS)])


def _tc_mlp_body(x_ref, p0_ref, p1_ref, eps_ref, w1_ref, b1_ref, w2_ref,
                 b2_ref, g_ref, be_ref, o_ref):
    h = ((1.0 + eps_ref[0, 0]) * x_ref[...] + p0_ref[0, :, :]
         + p1_ref[0, :, :])
    h1 = lax.dot_general(h, w1_ref[...], (((1,), (1,)), ((), ())),
                         preferred_element_type=jnp.float32) + b1_ref[...]
    h1 = jnp.maximum(h1, 0.0)
    h2 = lax.dot_general(h1, w2_ref[...], (((1,), (1,)), ((), ())),
                         preferred_element_type=jnp.float32) + b2_ref[...]
    mean = jnp.mean(h2, axis=-1, keepdims=True)
    cent = h2 - mean
    var = jnp.mean(cent * cent, axis=-1, keepdims=True)
    o_ref[...] = cent * lax.rsqrt(var + 1e-5) * g_ref[...] + be_ref[...]


_TC_BLK = 1000


def _tc_mlp(x, partials, eps, W1, b1, W2, b2, gamma, beta):
    grid = (N // _TC_BLK,)
    row_spec = pl.BlockSpec((_TC_BLK, D), lambda i: (i, 0))
    p0_spec = pl.BlockSpec((1, _TC_BLK, D), lambda i: (0, i, 0))
    p1_spec = pl.BlockSpec((1, _TC_BLK, D), lambda i: (1, i, 0))
    full_spec = pl.BlockSpec((D, D), lambda i: (0, 0))
    vec_spec = pl.BlockSpec((1, D), lambda i: (0, 0))
    return pl.pallas_call(
        _tc_mlp_body,
        grid=grid,
        in_specs=[
            row_spec, p0_spec, p1_spec,
            pl.BlockSpec((1, 1), lambda i: (0, 0)),
            full_spec, vec_spec, full_spec, vec_spec, vec_spec, vec_spec,
        ],
        out_specs=row_spec,
        out_shape=jax.ShapeDtypeStruct((N, D), jnp.float32),
    )(x, partials, partials, eps, W1, b1, W2, b2, gamma, beta)


def kernel(x, edge_index, eps, W1, b1, W2, b2, gamma, beta):
    partials = _sc_aggregate(x, edge_index)

    eps2 = jnp.reshape(eps, (1, 1)).astype(jnp.float32)
    return _tc_mlp(x, partials, eps2, W1,
                   jnp.reshape(b1, (1, D)), W2, jnp.reshape(b2, (1, D)),
                   jnp.reshape(gamma, (1, D)), jnp.reshape(beta, (1, D)))

# --- scband reference (transcript-rebuilt; emitter-appended) ---
"""Pipeline reference for scband-ginlayer-2954937499914 (READ-ONLY COPY).

The authoritative reference and input builder live on the scoring server;
editing this copy changes nothing except your own understanding.
"""

import jax, jax.numpy as jnp
import numpy as np

N = 10000
E = 320000
D = 128


def setup_inputs(seed: int = 0) -> dict:
    key = jax.random.key(seed)
    ks = jax.random.split(key, 8)
    x = jax.random.normal(ks[0], (N, D), dtype=jnp.float32)
    edge_index = jax.random.randint(ks[1], (2, E), 0, N, dtype=jnp.int32)
    scale = 1.0 / np.sqrt(D)
    W1 = jax.random.normal(ks[2], (D, D), dtype=jnp.float32) * scale
    b1 = jnp.zeros((D,), dtype=jnp.float32)
    W2 = jax.random.normal(ks[3], (D, D), dtype=jnp.float32) * scale
    b2 = jnp.zeros((D,), dtype=jnp.float32)
    eps = jnp.asarray(0.0, dtype=jnp.float32)
    gamma = jnp.ones((D,), dtype=jnp.float32)
    beta = jnp.zeros((D,), dtype=jnp.float32)
    return {"x": x, "edge_index": edge_index, "eps": eps, "W1": W1, "b1": b1, "W2": W2, "b2": b2, "gamma": gamma, "beta": beta}


def reference(x, edge_index, eps, W1, b1, W2, b2, gamma, beta):
    i = edge_index[0]
    j = edge_index[1]
    # gather neighbor features then scatter-sum into destination nodes
    agg = jnp.zeros_like(x).at[i].add(x[j])
    h = (1.0 + eps) * x + agg
    # MLP: Linear -> ReLU -> Linear (torch Linear: y = h @ W.T + b)
    h = h @ W1.T + b1
    h = jax.nn.relu(h)
    h = h @ W2.T + b2
    # dropout with p=0.0 is identity
    # LayerNorm over last dim (biased variance, eps=1e-5)
    mean = jnp.mean(h, axis=-1, keepdims=True)
    var = jnp.mean((h - mean) ** 2, axis=-1, keepdims=True)
    out = (h - mean) / jnp.sqrt(var + 1e-5) * gamma + beta
    return out

if __name__ == "__main__":
    import jax
    _d = setup_inputs()
    print(jax.jit(kernel)(*tuple(_d.values())))

</pallas_src>

<mosaic_0001>
#map = affine_map<(d0, d1) -> (0, 0)>
#map1 = affine_map<(d0, d1) -> (0, 0, 0)>
module attributes {stable_mosaic.version = 14 : i64} {
  func.func @_sc_aggregate(%arg0: i32, %arg1: i32, %arg2: memref<10000x128xf32, #tpu.memory_space<hbm>>, %arg3: memref<2x320000xi32, #tpu.memory_space<hbm>>, %arg4: memref<2x10240x128xf32, #tpu.memory_space<hbm>>, %arg5: memref<10240xi32, #tpu.memory_space<vmem>>, %arg6: memref<128xi32, #tpu.memory_space<vmem>>, %arg7: memref<128xi32, #tpu.memory_space<vmem>>, %arg8: memref<128x128xf32, #tpu.memory_space<vmem>>, %arg9: memref<128x128xf32, #tpu.memory_space<vmem>>, %arg10: memref<10240x128xf32, #tpu.memory_space<vmem_shared>>, %arg11: memref<!tpu.dma_semaphore, #tpu.memory_space<semaphore_mem>>, %arg12: memref<!tpu.dma_semaphore, #tpu.memory_space<semaphore_mem>>, %arg13: memref<!tpu.dma_semaphore, #tpu.memory_space<semaphore_mem>>, %arg14: memref<!tpu.dma_semaphore, #tpu.memory_space<semaphore_mem>>) attributes {dimension_semantics = [#tpu.dimension_semantics<core_parallel>, #tpu.dimension_semantics<subcore_parallel>], iteration_bounds = array<i64: 2, 16>, scalar_prefetch = 0 : i64, scratch_operands = 10 : i64, tpu.core_type = #tpu.core_type<sc_vector_subcore>, window_params = [{transform_indices = #map}, {transform_indices = #map}, {transform_indices = #map1}]} {
    %mul3A = arith.constant 16 : i32
    %mul3A_0 = arith.muli %arg0, %mul3A : i32
    %add3A = arith.addi %mul3A_0, %arg1 : i32
    %eq3A = arith.constant 31 : i32
    %eq3A_1 = arith.cmpi eq, %add3A, %eq3A : i32
    %jit3A = arith.constant 20 : i32
    %jit3A_2 = arith.constant 80 : i32
    %select_n3A = arith.select %eq3A_1, %jit3A, %jit3A_2 : i32
    %broadcast_in_dim3A = arith.constant 0.000000e+00 : f32
    %broadcast_in_dim3A_3 = vector.broadcast %broadcast_in_dim3A : f32 to vector<16xf32>
    %scan3A = arith.constant 0 : i32
    %scan3A_4 = arith.constant 0 : i32
    %scan3A_5 = arith.constant 128 : i32
    %scan3A_6 = arith.addi %scan3A_4, %scan3A_5 : i32
    %scan3A_7 = arith.constant 1 : i32
    scf.for %scan3A_142 = %scan3A_4 to %scan3A_6 step %scan3A_7  : i32 {
      %swap3A = arith.index_cast %scan3A_142 : i32 to index
      %swap3A_143 = arith.constant 0 : index
      %swap3A_144 = tpu.vector_load %arg9[%swap3A, %swap3A_143] {strides = array<i32>} : memref<128x128xf32, #tpu.memory_space<vmem>>, vector<1x16xf32>,
      %swap3A_145 = vector.shape_cast %swap3A_144 : vector<1x16xf32> to vector<16xf32>
      %swap3A_146 = vector.shape_cast %broadcast_in_dim3A_3 : vector<16xf32> to vector<1x16xf32>
      tpu.vector_store %arg9[%swap3A, %swap3A_143], %swap3A_146 {strides = array<i32>} : memref<128x128xf32, #tpu.memory_space<vmem>>, vector<1x16xf32>,
      %swap3A_147 = arith.index_cast %scan3A_142 : i32 to index
      %swap3A_148 = arith.constant 16 : index
      %swap3A_149 = tpu.vector_load %arg9[%swap3A_147, %swap3A_148] {strides = array<i32>} : memref<128x128xf32, #tpu.memory_space<vmem>>, vector<1x16xf32>,
      %swap3A_150 = vector.shape_cast %swap3A_149 : vector<1x16xf32> to vector<16xf32>
      %swap3A_151 = vector.shape_cast %broadcast_in_dim3A_3 : vector<16xf32> to vector<1x16xf32>
      tpu.vector_store %arg9[%swap3A_147, %swap3A_148], %swap3A_151 {strides = array<i32>} : memref<128x128xf32, #tpu.memory_space<vmem>>, vector<1x16xf32>,
      %swap3A_152 = arith.index_cast %scan3A_142 : i32 to index
      %swap3A_153 = arith.constant 32 : index
      %swap3A_154 = tpu.vector_load %arg9[%swap3A_152, %swap3A_153] {strides = array<i32>} : memref<128x128xf32, #tpu.memory_space<vmem>>, vector<1x16xf32>,
      %swap3A_155 = vector.shape_cast %swap3A_154 : vector<1x16xf32> to vector<16xf32>
      %swap3A_156 = vector.shape_cast %broadcast_in_dim3A_3 : vector<16xf32> to vector<1x16xf32>
      tpu.vector_store %arg9[%swap3A_152, %swap3A_153], %swap3A_156 {strides = array<i32>} : memref<128x128xf32, #tpu.memory_space<vmem>>, vector<1x16xf32>,
      %swap3A_157 = arith.index_cast %scan3A_142 : i32 to index
      %swap3A_158 = arith.constant 48 : index
      %swap3A_159 = tpu.vector_load %arg9[%swap3A_157, %swap3A_158] {strides = array<i32>} : memref<128x128xf32, #tpu.memory_space<vmem>>, vector<1x16xf32>,
      %swap3A_160 = vector.shape_cast %swap3A_159 : vector<1x16xf32> to vector<16xf32>
      %swap3A_161 = vector.shape_cast %broadcast_in_dim3A_3 : vector<16xf32> to vector<1x16xf32>
      tpu.vector_store %arg9[%swap3A_157, %swap3A_158], %swap3A_161 {strides = array<i32>} : memref<128x128xf32, #tpu.memory_space<vmem>>, vector<1x16xf32>,
      %swap3A_162 = arith.index_cast %scan3A_142 : i32 to index
      %swap3A_163 = arith.constant 64 : index
      %swap3A_164 = tpu.vector_load %arg9[%swap3A_162, %swap3A_163] {strides = array<i32>} : memref<128x128xf32, #tpu.memory_space<vmem>>, vector<1x16xf32>,
      %swap3A_165 = vector.shape_cast %swap3A_164 : vector<1x16xf32> to vector<16xf32>
      %swap3A_166 = vector.shape_cast %broadcast_in_dim3A_3 : vector<16xf32> to vector<1x16xf32>
      tpu.vector_store %arg9[%swap3A_162, %swap3A_163], %swap3A_166 {strides = array<i32>} : memref<128x128xf32, #tpu.memory_space<vmem>>, vector<1x16xf32>,
      %swap3A_167 = arith.index_cast %scan3A_142 : i32 to index
      %swap3A_168 = arith.constant 80 : index
      %swap3A_169 = tpu.vector_load %arg9[%swap3A_167, %swap3A_168] {strides = array<i32>} : memref<128x128xf32, #tpu.memory_space<vmem>>, vector<1x16xf32>,
      %swap3A_170 = vector.shape_cast %swap3A_169 : vector<1x16xf32> to vector<16xf32>
      %swap3A_171 = vector.shape_cast %broadcast_in_dim3A_3 : vector<16xf32> to vector<1x16xf32>
      tpu.vector_store %arg9[%swap3A_167, %swap3A_168], %swap3A_171 {strides = array<i32>} : memref<128x128xf32, #tpu.memory_space<vmem>>, vector<1x16xf32>,
      %swap3A_172 = arith.index_cast %scan3A_142 : i32 to index
      %swap3A_173 = arith.constant 96 : index
      %swap3A_174 = tpu.vector_load %arg9[%swap3A_172, %swap3A_173] {strides = array<i32>} : memref<128x128xf32, #tpu.memory_space<vmem>>, vector<1x16xf32>,
      %swap3A_175 = vector.shape_cast %swap3A_174 : vector<1x16xf32> to vector<16xf32>
      %swap3A_176 = vector.shape_cast %broadcast_in_dim3A_3 : vector<16xf32> to vector<1x16xf32>
      tpu.vector_store %arg9[%swap3A_172, %swap3A_173], %swap3A_176 {strides = array<i32>} : memref<128x128xf32, #tpu.memory_space<vmem>>, vector<1x16xf32>,
      %swap3A_177 = arith.index_cast %scan3A_142 : i32 to index
      %swap3A_178 = arith.constant 112 : index
      %swap3A_179 = tpu.vector_load %arg9[%swap3A_177, %swap3A_178] {strides = array<i32>} : memref<128x128xf32, #tpu.memory_space<vmem>>, vector<1x16xf32>,
      %swap3A_180 = vector.shape_cast %swap3A_179 : vector<1x16xf32> to vector<16xf32>
      %swap3A_181 = vector.shape_cast %broadcast_in_dim3A_3 : vector<16xf32> to vector<1x16xf32>
      tpu.vector_store %arg9[%swap3A_177, %swap3A_178], %swap3A_181 {strides = array<i32>} : memref<128x128xf32, #tpu.memory_space<vmem>>, vector<1x16xf32>,
    }
    %scan3A_8 = arith.constant 128 : i32
    %lt3A = arith.constant 31 : i32
    %lt3A_9 = arith.cmpi slt, %add3A, %lt3A : i32
    %convert_element_type3A = arith.extui %lt3A_9 : i1 to i32
    %cond3A = arith.constant 0 : i32
    %cond3A_10 = arith.cmpi ne, %convert_element_type3A, %cond3A : i32
    scf.if %cond3A_10 {
      %mul3A_142 = arith.constant 80 : i32
      %mul3A_143 = arith.muli %add3A, %mul3A_142 : i32
      %mul3A_144 = arith.constant 128 : i32
      %mul3A_145 = arith.muli %mul3A_143, %mul3A_144 : i32
      %run_scoped3A = arith.constant 1 : i32
      "tpu.region"() ({
        %run_scoped3A_146 = tpu.sem_alloc : memref<!tpu.dma_semaphore, #tpu.memory_space<semaphore_mem>>
        %dma_start3A_147 = tpu.memref_slice %arg3[%run_scoped3A, %mul3A_145] : memref<2x320000xi32, #tpu.memory_space<hbm>> -> memref<1x10240xi32, #tpu.memory_space<hbm>>
        %dma_start3A_148 = tpu.memref_squeeze %dma_start3A_147 : memref<1x10240xi32, #tpu.memory_space<hbm>> -> memref<10240xi32, #tpu.memory_space<hbm>>
        %dma_start3A_149 = tpu.memref_slice %arg3[%run_scoped3A, %mul3A_145] : memref<2x320000xi32, #tpu.memory_space<hbm>> -> memref<1x10240xi32, #tpu.memory_space<hbm>>
        %dma_start3A_150 = tpu.memref_squeeze %dma_start3A_149 : memref<1x10240xi32, #tpu.memory_space<hbm>> -> memref<10240xi32, #tpu.memory_space<hbm>>
        tpu.enqueue_dma source(%dma_start3A_150 : memref<10240xi32, #tpu.memory_space<hbm>>) target(%arg5 : memref<10240xi32, #tpu.memory_space<vmem>>) target_semaphore(%run_scoped3A_146 : memref<!tpu.dma_semaphore, #tpu.memory_space<semaphore_mem>>)
        %dma_wait3A_151 = tpu.memref_slice %arg3[%run_scoped3A, %mul3A_145] : memref<2x320000xi32, #tpu.memory_space<hbm>> -> memref<1x10240xi32, #tpu.memory_space<hbm>>
        %dma_wait3A_152 = tpu.memref_squeeze %dma_wait3A_151 : memref<1x10240xi32, #tpu.memory_space<hbm>> -> memref<10240xi32, #tpu.memory_space<hbm>>
        %dma_wait3A_153 = tpu.memref_slice %arg3[%run_scoped3A, %mul3A_145] : memref<2x320000xi32, #tpu.memory_space<hbm>> -> memref<1x10240xi32, #tpu.memory_space<hbm>>
        %dma_wait3A_154 = tpu.memref_squeeze %dma_wait3A_153 : memref<1x10240xi32, #tpu.memory_space<hbm>> -> memref<10240xi32, #tpu.memory_space<hbm>>
        tpu.wait_dma2 semaphore(%run_scoped3A_146 : memref<!tpu.dma_semaphore, #tpu.memory_space<semaphore_mem>>) src(%dma_wait3A_154 : memref<10240xi32, #tpu.memory_space<hbm>>) dst(%arg5 : memref<10240xi32, #tpu.memory_space<vmem>>)
        tpu.yield
      }) : () -> ()
    } else {
    }
    %eq3A_11 = arith.constant 31 : i32
    %eq3A_12 = arith.cmpi eq, %add3A, %eq3A_11 : i32
    %convert_element_type3A_13 = arith.extui %eq3A_12 : i1 to i32
    %cond3A_14 = arith.constant 0 : i32
    %cond3A_15 = arith.cmpi ne, %convert_element_type3A_13, %cond3A_14 : i32
    scf.if %cond3A_15 {
      %mul3A_142 = arith.constant 80 : i32
      %mul3A_143 = arith.muli %add3A, %mul3A_142 : i32
      %mul3A_144 = arith.constant 128 : i32
      %mul3A_145 = arith.muli %mul3A_143, %mul3A_144 : i32
      %run_scoped3A = arith.constant 1 : i32
      "tpu.region"() ({
        %run_scoped3A_146 = tpu.sem_alloc : memref<!tpu.dma_semaphore, #tpu.memory_space<semaphore_mem>>
        %dma_start3A_147 = arith.constant 0 : i32
        %dma_start3A_148 = tpu.memref_slice %arg5[%dma_start3A_147] : memref<10240xi32, #tpu.memory_space<vmem>> -> memref<2560xi32, #tpu.memory_space<vmem>>
        %dma_start3A_149 = tpu.memref_slice %arg3[%run_scoped3A, %mul3A_145] : memref<2x320000xi32, #tpu.memory_space<hbm>> -> memref<1x2560xi32, #tpu.memory_space<hbm>>
        %dma_start3A_150 = tpu.memref_squeeze %dma_start3A_149 : memref<1x2560xi32, #tpu.memory_space<hbm>> -> memref<2560xi32, #tpu.memory_space<hbm>>
        %dma_start3A_151 = arith.constant 0 : i32
        %dma_start3A_152 = tpu.memref_slice %arg5[%dma_start3A_151] : memref<10240xi32, #tpu.memory_space<vmem>> -> memref<2560xi32, #tpu.memory_space<vmem>>
        %dma_start3A_153 = tpu.memref_slice %arg3[%run_scoped3A, %mul3A_145] : memref<2x320000xi32, #tpu.memory_space<hbm>> -> memref<1x2560xi32, #tpu.memory_space<hbm>>
        %dma_start3A_154 = tpu.memref_squeeze %dma_start3A_153 : memref<1x2560xi32, #tpu.memory_space<hbm>> -> memref<2560xi32, #tpu.memory_space<hbm>>
        tpu.enqueue_dma source(%dma_start3A_154 : memref<2560xi32, #tpu.memory_space<hbm>>) target(%dma_start3A_152 : memref<2560xi32, #tpu.memory_space<vmem>>) target_semaphore(%run_scoped3A_146 : memref<!tpu.dma_semaphore, #tpu.memory_space<semaphore_mem>>)
        %dma_wait3A_155 = arith.constant 0 : i32
        %dma_wait3A_156 = tpu.memref_slice %arg5[%dma_wait3A_155] : memref<10240xi32, #tpu.memory_space<vmem>> -> memref<2560xi32, #tpu.memory_space<vmem>>
        %dma_wait3A_157 = tpu.memref_slice %arg3[%run_scoped3A, %mul3A_145] : memref<2x320000xi32, #tpu.memory_space<hbm>> -> memref<1x2560xi32, #tpu.memory_space<hbm>>
        %dma_wait3A_158 = tpu.memref_squeeze %dma_wait3A_157 : memref<1x2560xi32, #tpu.memory_space<hbm>> -> memref<2560xi32, #tpu.memory_space<hbm>>
        %dma_wait3A_159 = arith.constant 0 : i32
        %dma_wait3A_160 = tpu.memref_slice %arg5[%dma_wait3A_159] : memref<10240xi32, #tpu.memory_space<vmem>> -> memref<2560xi32, #tpu.memory_space<vmem>>
        %dma_wait3A_161 = tpu.memref_slice %arg3[%run_scoped3A, %mul3A_145] : memref<2x320000xi32, #tpu.memory_space<hbm>> -> memref<1x2560xi32, #tpu.memory_space<hbm>>
        %dma_wait3A_162 = tpu.memref_squeeze %dma_wait3A_161 : memref<1x2560xi32, #tpu.memory_space<hbm>> -> memref<2560xi32, #tpu.memory_space<hbm>>
        tpu.wait_dma2 semaphore(%run_scoped3A_146 : memref<!tpu.dma_semaphore, #tpu.memory_space<semaphore_mem>>) src(%dma_wait3A_162 : memref<2560xi32, #tpu.memory_space<hbm>>) dst(%dma_wait3A_160 : memref<2560xi32, #tpu.memory_space<vmem>>)
        tpu.yield
      }) : () -> ()
    } else {
    }
    %mul3A_16 = arith.constant 80 : i32
    %mul3A_17 = arith.muli %add3A, %mul3A_16 : i32
    %add3A_18 = arith.constant 0 : i32
    %add3A_19 = arith.addi %mul3A_17, %add3A_18 : i32
    %mul3A_20 = arith.constant 128 : i32
    %mul3A_21 = arith.muli %add3A_19, %mul3A_20 : i32
    %dma_start3A = arith.constant 0 : i32
    %dma_start3A_22 = tpu.memref_slice %arg3[%dma_start3A, %mul3A_21] : memref<2x320000xi32, #tpu.memory_space<hbm>> -> memref<1x128xi32, #tpu.memory_space<hbm>>
    %dma_start3A_23 = tpu.memref_squeeze %dma_start3A_22 : memref<1x128xi32, #tpu.memory_space<hbm>> -> memref<128xi32, #tpu.memory_space<hbm>>
    %dma_start3A_24 = tpu.memref_slice %arg3[%dma_start3A, %mul3A_21] : memref<2x320000xi32, #tpu.memory_space<hbm>> -> memref<1x128xi32, #tpu.memory_space<hbm>>
    %dma_start3A_25 = tpu.memref_squeeze %dma_start3A_24 : memref<1x128xi32, #tpu.memory_space<hbm>> -> memref<128xi32, #tpu.memory_space<hbm>>
    tpu.enqueue_dma source(%dma_start3A_25 : memref<128xi32, #tpu.memory_space<hbm>>) target(%arg6 : memref<128xi32, #tpu.memory_space<vmem>>) target_semaphore(%arg13 : memref<!tpu.dma_semaphore, #tpu.memory_space<semaphore_mem>>)
    %dma_start3A_26 = arith.constant 0 : i32
    %dma_start3A_27 = tpu.memref_slice %arg5[%dma_start3A_26] : memref<10240xi32, #tpu.memory_space<vmem>> -> memref<128xi32, #tpu.memory_space<vmem>>
    %dma_start3A_28 = arith.constant 0 : i32
    %dma_start3A_29 = arith.constant 0 : i32
    %dma_start3A_30 = tpu.memref_slice %arg2[%dma_start3A_28, %dma_start3A_29] : memref<10000x128xf32, #tpu.memory_space<hbm>> -> memref<10000x128xf32, #tpu.memory_space<hbm>>
    tpu.enqueue_indirect_dma source(%dma_start3A_30 : memref<10000x128xf32, #tpu.memory_space<hbm>>) target(%arg8 : memref<128x128xf32, #tpu.memory_space<vmem>>) offsets(%dma_start3A_27 : memref<128xi32, #tpu.memory_space<vmem>>) semaphore(%arg11 : memref<!tpu.dma_semaphore, #tpu.memory_space<semaphore_mem>>)
    %mul3A_31 = arith.constant 640 : i32
    %mul3A_32 = arith.muli %arg1, %mul3A_31 : i32
    %add3A_33 = arith.constant 0 : i32
    %add3A_34 = arith.addi %mul3A_32, %add3A_33 : i32
    "tpu.region"() ({
      %run_scoped3A = tpu.sem_alloc : memref<!tpu.dma_semaphore, #tpu.memory_space<semaphore_mem>>
      %dma_start3A_142 = arith.constant 0 : i32
      %dma_start3A_143 = tpu.memref_slice %arg10[%add3A_34, %dma_start3A_142] : memref<10240x128xf32, #tpu.memory_space<vmem_shared>> -> memref<128x128xf32, #tpu.memory_space<vmem_shared>>
      %dma_start3A_144 = arith.constant 0 : i32
      %dma_start3A_145 = tpu.memref_slice %arg10[%add3A_34, %dma_start3A_144] : memref<10240x128xf32, #tpu.memory_space<vmem_shared>> -> memref<128x128xf32, #tpu.memory_space<vmem_shared>>
      tpu.enqueue_dma source(%arg9 : memref<128x128xf32, #tpu.memory_space<vmem>>) target(%dma_start3A_145 : memref<128x128xf32, #tpu.memory_space<vmem_shared>>) target_semaphore(%run_scoped3A : memref<!tpu.dma_semaphore, #tpu.memory_space<semaphore_mem>>)
      %dma_wait3A_146 = arith.constant 0 : i32
      %dma_wait3A_147 = tpu.memref_slice %arg10[%add3A_34, %dma_wait3A_146] : memref<10240x128xf32, #tpu.memory_space<vmem_shared>> -> memref<128x128xf32, #tpu.memory_space<vmem_shared>>
      %dma_wait3A_148 = arith.constant 0 : i32
      %dma_wait3A_149 = tpu.memref_slice %arg10[%add3A_34, %dma_wait3A_148] : memref<10240x128xf32, #tpu.memory_space<vmem_shared>> -> memref<128x128xf32, #tpu.memory_space<vmem_shared>>
      tpu.wait_dma2 semaphore(%run_scoped3A : memref<!tpu.dma_semaphore, #tpu.memory_space<semaphore_mem>>) src(%arg9 : memref<128x128xf32, #tpu.memory_space<vmem>>) dst(%dma_wait3A_149 : memref<128x128xf32, #tpu.memory_space<vmem_shared>>)
      tpu.yield
    }) : () -> ()
    %mul3A_35 = arith.constant 640 : i32
    %mul3A_36 = arith.muli %arg1, %mul3A_35 : i32
    %add3A_37 = arith.constant 128 : i32
    %add3A_38 = arith.addi %mul3A_36, %add3A_37 : i32
    "tpu.region"() ({
      %run_scoped3A = tpu.sem_alloc : memref<!tpu.dma_semaphore, #tpu.memory_space<semaphore_mem>>
      %dma_start3A_142 = arith.constant 0 : i32
      %dma_start3A_143 = tpu.memref_slice %arg10[%add3A_38, %dma_start3A_142] : memref<10240x128xf32, #tpu.memory_space<vmem_shared>> -> memref<128x128xf32, #tpu.memory_space<vmem_shared>>
      %dma_start3A_144 = arith.constant 0 : i32
      %dma_start3A_145 = tpu.memref_slice %arg10[%add3A_38, %dma_start3A_144] : memref<10240x128xf32, #tpu.memory_space<vmem_shared>> -> memref<128x128xf32, #tpu.memory_space<vmem_shared>>
      tpu.enqueue_dma source(%arg9 : memref<128x128xf32, #tpu.memory_space<vmem>>) target(%dma_start3A_145 : memref<128x128xf32, #tpu.memory_space<vmem_shared>>) target_semaphore(%run_scoped3A : memref<!tpu.dma_semaphore, #tpu.memory_space<semaphore_mem>>)
      %dma_wait3A_146 = arith.constant 0 : i32
      %dma_wait3A_147 = tpu.memref_slice %arg10[%add3A_38, %dma_wait3A_146] : memref<10240x128xf32, #tpu.memory_space<vmem_shared>> -> memref<128x128xf32, #tpu.memory_space<vmem_shared>>
      %dma_wait3A_148 = arith.constant 0 : i32
      %dma_wait3A_149 = tpu.memref_slice %arg10[%add3A_38, %dma_wait3A_148] : memref<10240x128xf32, #tpu.memory_space<vmem_shared>> -> memref<128x128xf32, #tpu.memory_space<vmem_shared>>
      tpu.wait_dma2 semaphore(%run_scoped3A : memref<!tpu.dma_semaphore, #tpu.memory_space<semaphore_mem>>) src(%arg9 : memref<128x128xf32, #tpu.memory_space<vmem>>) dst(%dma_wait3A_149 : memref<128x128xf32, #tpu.memory_space<vmem_shared>>)
      tpu.yield
    }) : () -> ()
    %mul3A_39 = arith.constant 640 : i32
    %mul3A_40 = arith.muli %arg1, %mul3A_39 : i32
    %add3A_41 = arith.constant 256 : i32
    %add3A_42 = arith.addi %mul3A_40, %add3A_41 : i32
    "tpu.region"() ({
      %run_scoped3A = tpu.sem_alloc : memref<!tpu.dma_semaphore, #tpu.memory_space<semaphore_mem>>
      %dma_start3A_142 = arith.constant 0 : i32
      %dma_start3A_143 = tpu.memref_slice %arg10[%add3A_42, %dma_start3A_142] : memref<10240x128xf32, #tpu.memory_space<vmem_shared>> -> memref<128x128xf32, #tpu.memory_space<vmem_shared>>
      %dma_start3A_144 = arith.constant 0 : i32
      %dma_start3A_145 = tpu.memref_slice %arg10[%add3A_42, %dma_start3A_144] : memref<10240x128xf32, #tpu.memory_space<vmem_shared>> -> memref<128x128xf32, #tpu.memory_space<vmem_shared>>
      tpu.enqueue_dma source(%arg9 : memref<128x128xf32, #tpu.memory_space<vmem>>) target(%dma_start3A_145 : memref<128x128xf32, #tpu.memory_space<vmem_shared>>) target_semaphore(%run_scoped3A : memref<!tpu.dma_semaphore, #tpu.memory_space<semaphore_mem>>)
      %dma_wait3A_146 = arith.constant 0 : i32
      %dma_wait3A_147 = tpu.memref_slice %arg10[%add3A_42, %dma_wait3A_146] : memref<10240x128xf32, #tpu.memory_space<vmem_shared>> -> memref<128x128xf32, #tpu.memory_space<vmem_shared>>
      %dma_wait3A_148 = arith.constant 0 : i32
      %dma_wait3A_149 = tpu.memref_slice %arg10[%add3A_42, %dma_wait3A_148] : memref<10240x128xf32, #tpu.memory_space<vmem_shared>> -> memref<128x128xf32, #tpu.memory_space<vmem_shared>>
      tpu.wait_dma2 semaphore(%run_scoped3A : memref<!tpu.dma_semaphore, #tpu.memory_space<semaphore_mem>>) src(%arg9 : memref<128x128xf32, #tpu.memory_space<vmem>>) dst(%dma_wait3A_149 : memref<128x128xf32, #tpu.memory_space<vmem_shared>>)
      tpu.yield
    }) : () -> ()
    %mul3A_43 = arith.constant 640 : i32
    %mul3A_44 = arith.muli %arg1, %mul3A_43 : i32
    %add3A_45 = arith.constant 384 : i32
    %add3A_46 = arith.addi %mul3A_44, %add3A_45 : i32
    "tpu.region"() ({
      %run_scoped3A = tpu.sem_alloc : memref<!tpu.dma_semaphore, #tpu.memory_space<semaphore_mem>>
      %dma_start3A_142 = arith.constant 0 : i32
      %dma_start3A_143 = tpu.memref_slice %arg10[%add3A_46, %dma_start3A_142] : memref<10240x128xf32, #tpu.memory_space<vmem_shared>> -> memref<128x128xf32, #tpu.memory_space<vmem_shared>>
      %dma_start3A_144 = arith.constant 0 : i32
      %dma_start3A_145 = tpu.memref_slice %arg10[%add3A_46, %dma_start3A_144] : memref<10240x128xf32, #tpu.memory_space<vmem_shared>> -> memref<128x128xf32, #tpu.memory_space<vmem_shared>>
      tpu.enqueue_dma source(%arg9 : memref<128x128xf32, #tpu.memory_space<vmem>>) target(%dma_start3A_145 : memref<128x128xf32, #tpu.memory_space<vmem_shared>>) target_semaphore(%run_scoped3A : memref<!tpu.dma_semaphore, #tpu.memory_space<semaphore_mem>>)
      %dma_wait3A_146 = arith.constant 0 : i32
      %dma_wait3A_147 = tpu.memref_slice %arg10[%add3A_46, %dma_wait3A_146] : memref<10240x128xf32, #tpu.memory_space<vmem_shared>> -> memref<128x128xf32, #tpu.memory_space<vmem_shared>>
      %dma_wait3A_148 = arith.constant 0 : i32
      %dma_wait3A_149 = tpu.memref_slice %arg10[%add3A_46, %dma_wait3A_148] : memref<10240x128xf32, #tpu.memory_space<vmem_shared>> -> memref<128x128xf32, #tpu.memory_space<vmem_shared>>
      tpu.wait_dma2 semaphore(%run_scoped3A : memref<!tpu.dma_semaphore, #tpu.memory_space<semaphore_mem>>) src(%arg9 : memref<128x128xf32, #tpu.memory_space<vmem>>) dst(%dma_wait3A_149 : memref<128x128xf32, #tpu.memory_space<vmem_shared>>)
      tpu.yield
    }) : () -> ()
    %mul3A_47 = arith.constant 640 : i32
    %mul3A_48 = arith.muli %arg1, %mul3A_47 : i32
    %add3A_49 = arith.constant 512 : i32
    %add3A_50 = arith.addi %mul3A_48, %add3A_49 : i32
    "tpu.region"() ({
      %run_scoped3A = tpu.sem_alloc : memref<!tpu.dma_semaphore, #tpu.memory_space<semaphore_mem>>
      %dma_start3A_142 = arith.constant 0 : i32
      %dma_start3A_143 = tpu.memref_slice %arg10[%add3A_50, %dma_start3A_142] : memref<10240x128xf32, #tpu.memory_space<vmem_shared>> -> memref<128x128xf32, #tpu.memory_space<vmem_shared>>
      %dma_start3A_144 = arith.constant 0 : i32
      %dma_start3A_145 = tpu.memref_slice %arg10[%add3A_50, %dma_start3A_144] : memref<10240x128xf32, #tpu.memory_space<vmem_shared>> -> memref<128x128xf32, #tpu.memory_space<vmem_shared>>
      tpu.enqueue_dma source(%arg9 : memref<128x128xf32, #tpu.memory_space<vmem>>) target(%dma_start3A_145 : memref<128x128xf32, #tpu.memory_space<vmem_shared>>) target_semaphore(%run_scoped3A : memref<!tpu.dma_semaphore, #tpu.memory_space<semaphore_mem>>)
      %dma_wait3A_146 = arith.constant 0 : i32
      %dma_wait3A_147 = tpu.memref_slice %arg10[%add3A_50, %dma_wait3A_146] : memref<10240x128xf32, #tpu.memory_space<vmem_shared>> -> memref<128x128xf32, #tpu.memory_space<vmem_shared>>
      %dma_wait3A_148 = arith.constant 0 : i32
      %dma_wait3A_149 = tpu.memref_slice %arg10[%add3A_50, %dma_wait3A_148] : memref<10240x128xf32, #tpu.memory_space<vmem_shared>> -> memref<128x128xf32, #tpu.memory_space<vmem_shared>>
      tpu.wait_dma2 semaphore(%run_scoped3A : memref<!tpu.dma_semaphore, #tpu.memory_space<semaphore_mem>>) src(%arg9 : memref<128x128xf32, #tpu.memory_space<vmem>>) dst(%dma_wait3A_149 : memref<128x128xf32, #tpu.memory_space<vmem_shared>>)
      tpu.yield
    }) : () -> ()
    %barrier3A = arith.constant 0 : index
    tpu.barrier barrier_id(%barrier3A)
    %mul3A_51 = arith.constant 80 : i32
    %mul3A_52 = arith.muli %add3A, %mul3A_51 : i32
    %add3A_53 = arith.constant 1 : i32
    %add3A_54 = arith.addi %mul3A_52, %add3A_53 : i32
    %mul3A_55 = arith.constant 128 : i32
    %mul3A_56 = arith.muli %add3A_54, %mul3A_55 : i32
    %dma_start3A_57 = arith.constant 0 : i32
    %dma_start3A_58 = tpu.memref_slice %arg3[%dma_start3A_57, %mul3A_56] : memref<2x320000xi32, #tpu.memory_space<hbm>> -> memref<1x128xi32, #tpu.memory_space<hbm>>
    %dma_start3A_59 = tpu.memref_squeeze %dma_start3A_58 : memref<1x128xi32, #tpu.memory_space<hbm>> -> memref<128xi32, #tpu.memory_space<hbm>>
    %dma_start3A_60 = tpu.memref_slice %arg3[%dma_start3A_57, %mul3A_56] : memref<2x320000xi32, #tpu.memory_space<hbm>> -> memref<1x128xi32, #tpu.memory_space<hbm>>
    %dma_start3A_61 = tpu.memref_squeeze %dma_start3A_60 : memref<1x128xi32, #tpu.memory_space<hbm>> -> memref<128xi32, #tpu.memory_space<hbm>>
    tpu.enqueue_dma source(%dma_start3A_61 : memref<128xi32, #tpu.memory_space<hbm>>) target(%arg7 : memref<128xi32, #tpu.memory_space<vmem>>) target_semaphore(%arg14 : memref<!tpu.dma_semaphore, #tpu.memory_space<semaphore_mem>>)
    %dma_start3A_62 = arith.constant 128 : i32
    %dma_start3A_63 = tpu.memref_slice %arg5[%dma_start3A_62] : memref<10240xi32, #tpu.memory_space<vmem>> -> memref<128xi32, #tpu.memory_space<vmem>>
    %dma_start3A_64 = arith.constant 0 : i32
    %dma_start3A_65 = arith.constant 0 : i32
    %dma_start3A_66 = tpu.memref_slice %arg2[%dma_start3A_64, %dma_start3A_65] : memref<10000x128xf32, #tpu.memory_space<hbm>> -> memref<10000x128xf32, #tpu.memory_space<hbm>>
    tpu.enqueue_indirect_dma source(%dma_start3A_66 : memref<10000x128xf32, #tpu.memory_space<hbm>>) target(%arg9 : memref<128x128xf32, #tpu.memory_space<vmem>>) offsets(%dma_start3A_63 : memref<128xi32, #tpu.memory_space<vmem>>) semaphore(%arg12 : memref<!tpu.dma_semaphore, #tpu.memory_space<semaphore_mem>>)
    %jit3A_67 = arith.constant 2 : i32
    %div3A = arith.divsi %select_n3A, %jit3A_67 : i32
    %sign3A = arith.constant 0 : i32
    %sign3A_68 = arith.cmpi sgt, %select_n3A, %sign3A : i32
    %sign3A_69 = arith.extui %sign3A_68 : i1 to i32
    %sign3A_70 = arith.constant 0 : i32
    %sign3A_71 = arith.cmpi slt, %select_n3A, %sign3A_70 : i32
    %sign3A_72 = arith.extui %sign3A_71 : i1 to i32
    %sign3A_73 = arith.subi %sign3A_69, %sign3A_72 : i32
    %sign3A_74 = arith.constant 0 : i32
    %sign3A_75 = arith.cmpi sgt, %jit3A_67, %sign3A_74 : i32
    %sign3A_76 = arith.extui %sign3A_75 : i1 to i32
    %sign3A_77 = arith.constant 0 : i32
    %sign3A_78 = arith.cmpi slt, %jit3A_67, %sign3A_77 : i32
    %sign3A_79 = arith.extui %sign3A_78 : i1 to i32
    %sign3A_80 = arith.subi %sign3A_76, %sign3A_79 : i32
    %ne3A = arith.cmpi ne, %sign3A_73, %sign3A_80 : i32
    %rem3A = arith.remsi %select_n3A, %jit3A_67 : i32
    %ne3A_81 = arith.constant 0 : i32
    %ne3A_82 = arith.cmpi ne, %rem3A, %ne3A_81 : i32
    %and3A = arith.andi %ne3A, %ne3A_82 : i1
    %sub3A = arith.constant 1 : i32
    %sub3A_83 = arith.subi %div3A, %sub3A : i32
    %select_n3A_84 = arith.select %and3A, %sub3A_83, %div3A : i32
    %sub3A_85 = arith.constant 1 : i32
    %sub3A_86 = arith.subi %select_n3A_84, %sub3A_85 : i32
    %while3A = arith.constant 0 : i32
    %while3A_87 = arith.constant 0 : i32
    %while3A_88 = arith.subi %sub3A_86, %while3A_87 : i32
    %while3A_89 = arith.addi %while3A_87, %while3A_88 : i32
    %while3A_90 = arith.constant 1 : i32
    %while3A_91 = arith.divsi %while3A_88, %while3A_90 : i32
    %while3A_92 = arith.muli %while3A_91, %while3A_90 : i32
    %while3A_93 = arith.addi %while3A_87, %while3A_92 : i32
    %while3A_94 = arith.constant 1 : i32
    scf.for %while3A_142 = %while3A_87 to %while3A_93 step %while3A_94  : i32 {
      %mul3A_143 = arith.constant 2 : i32
      %mul3A_144 = arith.muli %mul3A_143, %while3A_142 : i32
      %add3A_145 = arith.constant 0 : i32
      %add3A_146 = arith.addi %add3A_145, %mul3A_144 : i32
      %mul3A_147 = arith.constant 80 : i32
      %mul3A_148 = arith.muli %add3A, %mul3A_147 : i32
      %add3A_149 = arith.addi %mul3A_148, %add3A_146 : i32
      %mul3A_150 = arith.constant 128 : i32
      %mul3A_151 = arith.muli %add3A_149, %mul3A_150 : i32
      %dma_wait3A_152 = arith.constant 0 : i32
      %dma_wait3A_153 = tpu.memref_slice %arg3[%dma_wait3A_152, %mul3A_151] : memref<2x320000xi32, #tpu.memory_space<hbm>> -> memref<1x128xi32, #tpu.memory_space<hbm>>
      %dma_wait3A_154 = tpu.memref_squeeze %dma_wait3A_153 : memref<1x128xi32, #tpu.memory_space<hbm>> -> memref<128xi32, #tpu.memory_space<hbm>>
      %dma_wait3A_155 = tpu.memref_slice %arg3[%dma_wait3A_152, %mul3A_151] : memref<2x320000xi32, #tpu.memory_space<hbm>> -> memref<1x128xi32, #tpu.memory_space<hbm>>
      %dma_wait3A_156 = tpu.memref_squeeze %dma_wait3A_155 : memref<1x128xi32, #tpu.memory_space<hbm>> -> memref<128xi32, #tpu.memory_space<hbm>>
      tpu.wait_dma2 semaphore(%arg13 : memref<!tpu.dma_semaphore, #tpu.memory_space<semaphore_mem>>) src(%dma_wait3A_156 : memref<128xi32, #tpu.memory_space<hbm>>) dst(%arg6 : memref<128xi32, #tpu.memory_space<vmem>>)
      %mul3A_157 = arith.constant 128 : i32
      %mul3A_158 = arith.muli %mul3A_144, %mul3A_157 : i32
      %dma_wait3A_159 = tpu.memref_slice %arg5[%mul3A_158] : memref<10240xi32, #tpu.memory_space<vmem>> -> memref<128xi32, #tpu.memory_space<vmem>>
      %dma_wait3A_160 = arith.constant 0 : i32
      %dma_wait3A_161 = arith.constant 0 : i32
      %dma_wait3A_162 = tpu.memref_slice %arg2[%dma_wait3A_160, %dma_wait3A_161] : memref<10000x128xf32, #tpu.memory_space<hbm>> -> memref<10000x128xf32, #tpu.memory_space<hbm>>
      tpu.wait_indirect_dma semaphore(%arg11 : memref<!tpu.dma_semaphore, #tpu.memory_space<semaphore_mem>>) src(%dma_wait3A_162 : memref<10000x128xf32, #tpu.memory_space<hbm>>) dst(%arg8 : memref<128x128xf32, #tpu.memory_space<vmem>>)
      "tpu.region"() ({
        %run_scoped3A = tpu.sem_alloc : memref<!tpu.dma_semaphore, #tpu.memory_space<semaphore_mem>>
        %dma_start3A_229 = arith.constant 0 : i32
        %dma_start3A_230 = arith.constant 0 : i32
        %dma_start3A_231 = tpu.memref_slice %arg10[%dma_start3A_229, %dma_start3A_230] : memref<10240x128xf32, #tpu.memory_space<vmem_shared>> -> memref<10240x128xf32, #tpu.memory_space<vmem_shared>>
        tpu.enqueue_indirect_dma source(%arg8 : memref<128x128xf32, #tpu.memory_space<vmem>>) target(%dma_start3A_231 : memref<10240x128xf32, #tpu.memory_space<vmem_shared>>) offsets(%arg6 : memref<128xi32, #tpu.memory_space<vmem>>) semaphore(%run_scoped3A : memref<!tpu.dma_semaphore, #tpu.memory_space<semaphore_mem>>) {add = true}
        %dma_wait3A_232 = arith.constant 0 : i32
        %dma_wait3A_233 = arith.constant 0 : i32
        %dma_wait3A_234 = tpu.memref_slice %arg10[%dma_wait3A_232, %dma_wait3A_233] : memref<10240x128xf32, #tpu.memory_space<vmem_shared>> -> memref<10240x128xf32, #tpu.memory_space<vmem_shared>>
        tpu.wait_indirect_dma semaphore(%run_scoped3A : memref<!tpu.dma_semaphore, #tpu.memory_space<semaphore_mem>>) src(%arg8 : memref<128x128xf32, #tpu.memory_space<vmem>>) dst(%dma_wait3A_234 : memref<10240x128xf32, #tpu.memory_space<vmem_shared>>)
        tpu.yield
      }) : () -> ()
      %add3A_163 = arith.constant 0 : i32
      %add3A_164 = arith.addi %add3A_163, %mul3A_144 : i32
      %add3A_165 = arith.constant 2 : i32
      %add3A_166 = arith.addi %add3A_164, %add3A_165 : i32
      %mul3A_167 = arith.constant 80 : i32
      %mul3A_168 = arith.muli %add3A, %mul3A_167 : i32
      %add3A_169 = arith.addi %mul3A_168, %add3A_166 : i32
      %mul3A_170 = arith.constant 128 : i32
      %mul3A_171 = arith.muli %add3A_169, %mul3A_170 : i32
      %dma_start3A_172 = arith.constant 0 : i32
      %dma_start3A_173 = tpu.memref_slice %arg3[%dma_start3A_172, %mul3A_171] : memref<2x320000xi32, #tpu.memory_space<hbm>> -> memref<1x128xi32, #tpu.memory_space<hbm>>
      %dma_start3A_174 = tpu.memref_squeeze %dma_start3A_173 : memref<1x128xi32, #tpu.memory_space<hbm>> -> memref<128xi32, #tpu.memory_space<hbm>>
      %dma_start3A_175 = tpu.memref_slice %arg3[%dma_start3A_172, %mul3A_171] : memref<2x320000xi32, #tpu.memory_space<hbm>> -> memref<1x128xi32, #tpu.memory_space<hbm>>
      %dma_start3A_176 = tpu.memref_squeeze %dma_start3A_175 : memref<1x128xi32, #tpu.memory_space<hbm>> -> memref<128xi32, #tpu.memory_space<hbm>>
      tpu.enqueue_dma source(%dma_start3A_176 : memref<128xi32, #tpu.memory_space<hbm>>) target(%arg6 : memref<128xi32, #tpu.memory_space<vmem>>) target_semaphore(%arg13 : memref<!tpu.dma_semaphore, #tpu.memory_space<semaphore_mem>>)
      %add3A_177 = arith.constant 2 : i32
      %add3A_178 = arith.addi %mul3A_144, %add3A_177 : i32
      %mul3A_179 = arith.constant 128 : i32
      %mul3A_180 = arith.muli %add3A_178, %mul3A_179 : i32
      %dma_start3A_181 = tpu.memref_slice %arg5[%mul3A_180] : memref<10240xi32, #tpu.memory_space<vmem>> -> memref<128xi32, #tpu.memory_space<vmem>>
      %dma_start3A_182 = arith.constant 0 : i32
      %dma_start3A_183 = arith.constant 0 : i32
      %dma_start3A_184 = tpu.memref_slice %arg2[%dma_start3A_182, %dma_start3A_183] : memref<10000x128xf32, #tpu.memory_space<hbm>> -> memref<10000x128xf32, #tpu.memory_space<hbm>>
      tpu.enqueue_indirect_dma source(%dma_start3A_184 : memref<10000x128xf32, #tpu.memory_space<hbm>>) target(%arg8 : memref<128x128xf32, #tpu.memory_space<vmem>>) offsets(%dma_start3A_181 : memref<128xi32, #tpu.memory_space<vmem>>) semaphore(%arg11 : memref<!tpu.dma_semaphore, #tpu.memory_space<semaphore_mem>>)
      %add3A_185 = arith.constant 0 : i32
      %add3A_186 = arith.addi %add3A_185, %mul3A_144 : i32
      %add3A_187 = arith.constant 1 : i32
      %add3A_188 = arith.addi %add3A_186, %add3A_187 : i32
      %mul3A_189 = arith.constant 80 : i32
      %mul3A_190 = arith.muli %add3A, %mul3A_189 : i32
      %add3A_191 = arith.addi %mul3A_190, %add3A_188 : i32
      %mul3A_192 = arith.constant 128 : i32
      %mul3A_193 = arith.muli %add3A_191, %mul3A_192 : i32
      %dma_wait3A_194 = arith.constant 0 : i32
      %dma_wait3A_195 = tpu.memref_slice %arg3[%dma_wait3A_194, %mul3A_193] : memref<2x320000xi32, #tpu.memory_space<hbm>> -> memref<1x128xi32, #tpu.memory_space<hbm>>
      %dma_wait3A_196 = tpu.memref_squeeze %dma_wait3A_195 : memref<1x128xi32, #tpu.memory_space<hbm>> -> memref<128xi32, #tpu.memory_space<hbm>>
      %dma_wait3A_197 = tpu.memref_slice %arg3[%dma_wait3A_194, %mul3A_193] : memref<2x320000xi32, #tpu.memory_space<hbm>> -> memref<1x128xi32, #tpu.memory_space<hbm>>
      %dma_wait3A_198 = tpu.memref_squeeze %dma_wait3A_197 : memref<1x128xi32, #tpu.memory_space<hbm>> -> memref<128xi32, #tpu.memory_space<hbm>>
      tpu.wait_dma2 semaphore(%arg14 : memref<!tpu.dma_semaphore, #tpu.memory_space<semaphore_mem>>) src(%dma_wait3A_198 : memref<128xi32, #tpu.memory_space<hbm>>) dst(%arg7 : memref<128xi32, #tpu.memory_space<vmem>>)
      %add3A_199 = arith.constant 1 : i32
      %add3A_200 = arith.addi %mul3A_144, %add3A_199 : i32
      %mul3A_201 = arith.constant 128 : i32
      %mul3A_202 = arith.muli %add3A_200, %mul3A_201 : i32
      %dma_wait3A_203 = tpu.memref_slice %arg5[%mul3A_202] : memref<10240xi32, #tpu.memory_space<vmem>> -> memref<128xi32, #tpu.memory_space<vmem>>
      %dma_wait3A_204 = arith.constant 0 : i32
      %dma_wait3A_205 = arith.constant 0 : i32
      %dma_wait3A_206 = tpu.memref_slice %arg2[%dma_wait3A_204, %dma_wait3A_205] : memref<10000x128xf32, #tpu.memory_space<hbm>> -> memref<10000x128xf32, #tpu.memory_space<hbm>>
      tpu.wait_indirect_dma semaphore(%arg12 : memref<!tpu.dma_semaphore, #tpu.memory_space<semaphore_mem>>) src(%dma_wait3A_206 : memref<10000x128xf32, #tpu.memory_space<hbm>>) dst(%arg9 : memref<128x128xf32, #tpu.memory_space<vmem>>)
      "tpu.region"() ({
        %run_scoped3A = tpu.sem_alloc : memref<!tpu.dma_semaphore, #tpu.memory_space<semaphore_mem>>
        %dma_start3A_229 = arith.constant 0 : i32
        %dma_start3A_230 = arith.constant 0 : i32
        %dma_start3A_231 = tpu.memref_slice %arg10[%dma_start3A_229, %dma_start3A_230] : memref<10240x128xf32, #tpu.memory_space<vmem_shared>> -> memref<10240x128xf32, #tpu.memory_space<vmem_shared>>
        tpu.enqueue_indirect_dma source(%arg9 : memref<128x128xf32, #tpu.memory_space<vmem>>) target(%dma_start3A_231 : memref<10240x128xf32, #tpu.memory_space<vmem_shared>>) offsets(%arg7 : memref<128xi32, #tpu.memory_space<vmem>>) semaphore(%run_scoped3A : memref<!tpu.dma_semaphore, #tpu.memory_space<semaphore_mem>>) {add = true}
        %dma_wait3A_232 = arith.constant 0 : i32
        %dma_wait3A_233 = arith.constant 0 : i32
        %dma_wait3A_234 = tpu.memref_slice %arg10[%dma_wait3A_232, %dma_wait3A_233] : memref<10240x128xf32, #tpu.memory_space<vmem_shared>> -> memref<10240x128xf32, #tpu.memory_space<vmem_shared>>
        tpu.wait_indirect_dma semaphore(%run_scoped3A : memref<!tpu.dma_semaphore, #tpu.memory_space<semaphore_mem>>) src(%arg9 : memref<128x128xf32, #tpu.memory_space<vmem>>) dst(%dma_wait3A_234 : memref<10240x128xf32, #tpu.memory_space<vmem_shared>>)
        tpu.yield
      }) : () -> ()
      %add3A_207 = arith.constant 0 : i32
      %add3A_208 = arith.addi %add3A_207, %mul3A_144 : i32
      %add3A_209 = arith.constant 3 : i32
      %add3A_210 = arith.addi %add3A_208, %add3A_209 : i32
      %mul3A_211 = arith.constant 80 : i32
      %mul3A_212 = arith.muli %add3A, %mul3A_211 : i32
      %add3A_213 = arith.addi %mul3A_212, %add3A_210 : i32
      %mul3A_214 = arith.constant 128 : i32
      %mul3A_215 = arith.muli %add3A_213, %mul3A_214 : i32
      %dma_start3A_216 = arith.constant 0 : i32
      %dma_start3A_217 = tpu.memref_slice %arg3[%dma_start3A_216, %mul3A_215] : memref<2x320000xi32, #tpu.memory_space<hbm>> -> memref<1x128xi32, #tpu.memory_space<hbm>>
      %dma_start3A_218 = tpu.memref_squeeze %dma_start3A_217 : memref<1x128xi32, #tpu.memory_space<hbm>> -> memref<128xi32, #tpu.memory_space<hbm>>
      %dma_start3A_219 = tpu.memref_slice %arg3[%dma_start3A_216, %mul3A_215] : memref<2x320000xi32, #tpu.memory_space<hbm>> -> memref<1x128xi32, #tpu.memory_space<hbm>>
      %dma_start3A_220 = tpu.memref_squeeze %dma_start3A_219 : memref<1x128xi32, #tpu.memory_space<hbm>> -> memref<128xi32, #tpu.memory_space<hbm>>
      tpu.enqueue_dma source(%dma_start3A_220 : memref<128xi32, #tpu.memory_space<hbm>>) target(%arg7 : memref<128xi32, #tpu.memory_space<vmem>>) target_semaphore(%arg14 : memref<!tpu.dma_semaphore, #tpu.memory_space<semaphore_mem>>)
      %add3A_221 = arith.constant 3 : i32
      %add3A_222 = arith.addi %mul3A_144, %add3A_221 : i32
      %mul3A_223 = arith.constant 128 : i32
      %mul3A_224 = arith.muli %add3A_222, %mul3A_223 : i32
      %dma_start3A_225 = tpu.memref_slice %arg5[%mul3A_224] : memref<10240xi32, #tpu.memory_space<vmem>> -> memref<128xi32, #tpu.memory_space<vmem>>
      %dma_start3A_226 = arith.constant 0 : i32
      %dma_start3A_227 = arith.constant 0 : i32
      %dma_start3A_228 = tpu.memref_slice %arg2[%dma_start3A_226, %dma_start3A_227] : memref<10000x128xf32, #tpu.memory_space<hbm>> -> memref<10000x128xf32, #tpu.memory_space<hbm>>
      tpu.enqueue_indirect_dma source(%dma_start3A_228 : memref<10000x128xf32, #tpu.memory_space<hbm>>) target(%arg9 : memref<128x128xf32, #tpu.memory_space<vmem>>) offsets(%dma_start3A_225 : memref<128xi32, #tpu.memory_space<vmem>>) semaphore(%arg12 : memref<!tpu.dma_semaphore, #tpu.memory_space<semaphore_mem>>)
    }
    %while3A_95 = arith.constant 1 : i32
    scf.for %while3A_142 = %while3A_93 to %while3A_89 step %while3A_95  : i32 {
      %mul3A_143 = arith.constant 2 : i32
      %mul3A_144 = arith.muli %mul3A_143, %while3A_142 : i32
      %add3A_145 = arith.constant 0 : i32
      %add3A_146 = arith.addi %add3A_145, %mul3A_144 : i32
      %mul3A_147 = arith.constant 80 : i32
      %mul3A_148 = arith.muli %add3A, %mul3A_147 : i32
      %add3A_149 = arith.addi %mul3A_148, %add3A_146 : i32
      %mul3A_150 = arith.constant 128 : i32
      %mul3A_151 = arith.muli %add3A_149, %mul3A_150 : i32
      %dma_wait3A_152 = arith.constant 0 : i32
      %dma_wait3A_153 = tpu.memref_slice %arg3[%dma_wait3A_152, %mul3A_151] : memref<2x320000xi32, #tpu.memory_space<hbm>> -> memref<1x128xi32, #tpu.memory_space<hbm>>
      %dma_wait3A_154 = tpu.memref_squeeze %dma_wait3A_153 : memref<1x128xi32, #tpu.memory_space<hbm>> -> memref<128xi32, #tpu.memory_space<hbm>>
      %dma_wait3A_155 = tpu.memref_slice %arg3[%dma_wait3A_152, %mul3A_151] : memref<2x320000xi32, #tpu.memory_space<hbm>> -> memref<1x128xi32, #tpu.memory_space<hbm>>
      %dma_wait3A_156 = tpu.memref_squeeze %dma_wait3A_155 : memref<1x128xi32, #tpu.memory_space<hbm>> -> memref<128xi32, #tpu.memory_space<hbm>>
      tpu.wait_dma2 semaphore(%arg13 : memref<!tpu.dma_semaphore, #tpu.memory_space<semaphore_mem>>) src(%dma_wait3A_156 : memref<128xi32, #tpu.memory_space<hbm>>) dst(%arg6 : memref<128xi32, #tpu.memory_space<vmem>>)
      %mul3A_157 = arith.constant 128 : i32
      %mul3A_158 = arith.muli %mul3A_144, %mul3A_157 : i32
      %dma_wait3A_159 = tpu.memref_slice %arg5[%mul3A_158] : memref<10240xi32, #tpu.memory_space<vmem>> -> memref<128xi32, #tpu.memory_space<vmem>>
      %dma_wait3A_160 = arith.constant 0 : i32
      %dma_wait3A_161 = arith.constant 0 : i32
      %dma_wait3A_162 = tpu.memref_slice %arg2[%dma_wait3A_160, %dma_wait3A_161] : memref<10000x128xf32, #tpu.memory_space<hbm>> -> memref<10000x128xf32, #tpu.memory_space<hbm>>
      tpu.wait_indirect_dma semaphore(%arg11 : memref<!tpu.dma_semaphore, #tpu.memory_space<semaphore_mem>>) src(%dma_wait3A_162 : memref<10000x128xf32, #tpu.memory_space<hbm>>) dst(%arg8 : memref<128x128xf32, #tpu.memory_space<vmem>>)
      "tpu.region"() ({
        %run_scoped3A = tpu.sem_alloc : memref<!tpu.dma_semaphore, #tpu.memory_space<semaphore_mem>>
        %dma_start3A_229 = arith.constant 0 : i32
        %dma_start3A_230 = arith.constant 0 : i32
        %dma_start3A_231 = tpu.memref_slice %arg10[%dma_start3A_229, %dma_start3A_230] : memref<10240x128xf32, #tpu.memory_space<vmem_shared>> -> memref<10240x128xf32, #tpu.memory_space<vmem_shared>>
        tpu.enqueue_indirect_dma source(%arg8 : memref<128x128xf32, #tpu.memory_space<vmem>>) target(%dma_start3A_231 : memref<10240x128xf32, #tpu.memory_space<vmem_shared>>) offsets(%arg6 : memref<128xi32, #tpu.memory_space<vmem>>) semaphore(%run_scoped3A : memref<!tpu.dma_semaphore, #tpu.memory_space<semaphore_mem>>) {add = true}
        %dma_wait3A_232 = arith.constant 0 : i32
        %dma_wait3A_233 = arith.constant 0 : i32
        %dma_wait3A_234 = tpu.memref_slice %arg10[%dma_wait3A_232, %dma_wait3A_233] : memref<10240x128xf32, #tpu.memory_space<vmem_shared>> -> memref<10240x128xf32, #tpu.memory_space<vmem_shared>>
        tpu.wait_indirect_dma semaphore(%run_scoped3A : memref<!tpu.dma_semaphore, #tpu.memory_space<semaphore_mem>>) src(%arg8 : memref<128x128xf32, #tpu.memory_space<vmem>>) dst(%dma_wait3A_234 : memref<10240x128xf32, #tpu.memory_space<vmem_shared>>)
        tpu.yield
      }) : () -> ()
      %add3A_163 = arith.constant 0 : i32
      %add3A_164 = arith.addi %add3A_163, %mul3A_144 : i32
      %add3A_165 = arith.constant 2 : i32
      %add3A_166 = arith.addi %add3A_164, %add3A_165 : i32
      %mul3A_167 = arith.constant 80 : i32
      %mul3A_168 = arith.muli %add3A, %mul3A_167 : i32
      %add3A_169 = arith.addi %mul3A_168, %add3A_166 : i32
      %mul3A_170 = arith.constant 128 : i32
      %mul3A_171 = arith.muli %add3A_169, %mul3A_170 : i32
      %dma_start3A_172 = arith.constant 0 : i32
      %dma_start3A_173 = tpu.memref_slice %arg3[%dma_start3A_172, %mul3A_171] : memref<2x320000xi32, #tpu.memory_space<hbm>> -> memref<1x128xi32, #tpu.memory_space<hbm>>
      %dma_start3A_174 = tpu.memref_squeeze %dma_start3A_173 : memref<1x128xi32, #tpu.memory_space<hbm>> -> memref<128xi32, #tpu.memory_space<hbm>>
      %dma_start3A_175 = tpu.memref_slice %arg3[%dma_start3A_172, %mul3A_171] : memref<2x320000xi32, #tpu.memory_space<hbm>> -> memref<1x128xi32, #tpu.memory_space<hbm>>
      %dma_start3A_176 = tpu.memref_squeeze %dma_start3A_175 : memref<1x128xi32, #tpu.memory_space<hbm>> -> memref<128xi32, #tpu.memory_space<hbm>>
      tpu.enqueue_dma source(%dma_start3A_176 : memref<128xi32, #tpu.memory_space<hbm>>) target(%arg6 : memref<128xi32, #tpu.memory_space<vmem>>) target_semaphore(%arg13 : memref<!tpu.dma_semaphore, #tpu.memory_space<semaphore_mem>>)
      %add3A_177 = arith.constant 2 : i32
      %add3A_178 = arith.addi %mul3A_144, %add3A_177 : i32
      %mul3A_179 = arith.constant 128 : i32
      %mul3A_180 = arith.muli %add3A_178, %mul3A_179 : i32
      %dma_start3A_181 = tpu.memref_slice %arg5[%mul3A_180] : memref<10240xi32, #tpu.memory_space<vmem>> -> memref<128xi32, #tpu.memory_space<vmem>>
      %dma_start3A_182 = arith.constant 0 : i32
      %dma_start3A_183 = arith.constant 0 : i32
      %dma_start3A_184 = tpu.memref_slice %arg2[%dma_start3A_182, %dma_start3A_183] : memref<10000x128xf32, #tpu.memory_space<hbm>> -> memref<10000x128xf32, #tpu.memory_space<hbm>>
      tpu.enqueue_indirect_dma source(%dma_start3A_184 : memref<10000x128xf32, #tpu.memory_space<hbm>>) target(%arg8 : memref<128x128xf32, #tpu.memory_space<vmem>>) offsets(%dma_start3A_181 : memref<128xi32, #tpu.memory_space<vmem>>) semaphore(%arg11 : memref<!tpu.dma_semaphore, #tpu.memory_space<semaphore_mem>>)
      %add3A_185 = arith.constant 0 : i32
      %add3A_186 = arith.addi %add3A_185, %mul3A_144 : i32
      %add3A_187 = arith.constant 1 : i32
      %add3A_188 = arith.addi %add3A_186, %add3A_187 : i32
      %mul3A_189 = arith.constant 80 : i32
      %mul3A_190 = arith.muli %add3A, %mul3A_189 : i32
      %add3A_191 = arith.addi %mul3A_190, %add3A_188 : i32
      %mul3A_192 = arith.constant 128 : i32
      %mul3A_193 = arith.muli %add3A_191, %mul3A_192 : i32
      %dma_wait3A_194 = arith.constant 0 : i32
      %dma_wait3A_195 = tpu.memref_slice %arg3[%dma_wait3A_194, %mul3A_193] : memref<2x320000xi32, #tpu.memory_space<hbm>> -> memref<1x128xi32, #tpu.memory_space<hbm>>
      %dma_wait3A_196 = tpu.memref_squeeze %dma_wait3A_195 : memref<1x128xi32, #tpu.memory_space<hbm>> -> memref<128xi32, #tpu.memory_space<hbm>>
      %dma_wait3A_197 = tpu.memref_slice %arg3[%dma_wait3A_194, %mul3A_193] : memref<2x320000xi32, #tpu.memory_space<hbm>> -> memref<1x128xi32, #tpu.memory_space<hbm>>
      %dma_wait3A_198 = tpu.memref_squeeze %dma_wait3A_197 : memref<1x128xi32, #tpu.memory_space<hbm>> -> memref<128xi32, #tpu.memory_space<hbm>>
      tpu.wait_dma2 semaphore(%arg14 : memref<!tpu.dma_semaphore, #tpu.memory_space<semaphore_mem>>) src(%dma_wait3A_198 : memref<128xi32, #tpu.memory_space<hbm>>) dst(%arg7 : memref<128xi32, #tpu.memory_space<vmem>>)
      %add3A_199 = arith.constant 1 : i32
      %add3A_200 = arith.addi %mul3A_144, %add3A_199 : i32
      %mul3A_201 = arith.constant 128 : i32
      %mul3A_202 = arith.muli %add3A_200, %mul3A_201 : i32
      %dma_wait3A_203 = tpu.memref_slice %arg5[%mul3A_202] : memref<10240xi32, #tpu.memory_space<vmem>> -> memref<128xi32, #tpu.memory_space<vmem>>
      %dma_wait3A_204 = arith.constant 0 : i32
      %dma_wait3A_205 = arith.constant 0 : i32
      %dma_wait3A_206 = tpu.memref_slice %arg2[%dma_wait3A_204, %dma_wait3A_205] : memref<10000x128xf32, #tpu.memory_space<hbm>> -> memref<10000x128xf32, #tpu.memory_space<hbm>>
      tpu.wait_indirect_dma semaphore(%arg12 : memref<!tpu.dma_semaphore, #tpu.memory_space<semaphore_mem>>) src(%dma_wait3A_206 : memref<10000x128xf32, #tpu.memory_space<hbm>>) dst(%arg9 : memref<128x128xf32, #tpu.memory_space<vmem>>)
      "tpu.region"() ({
        %run_scoped3A = tpu.sem_alloc : memref<!tpu.dma_semaphore, #tpu.memory_space<semaphore_mem>>
        %dma_start3A_229 = arith.constant 0 : i32
        %dma_start3A_230 = arith.constant 0 : i32
        %dma_start3A_231 = tpu.memref_slice %arg10[%dma_start3A_229, %dma_start3A_230] : memref<10240x128xf32, #tpu.memory_space<vmem_shared>> -> memref<10240x128xf32, #tpu.memory_space<vmem_shared>>
        tpu.enqueue_indirect_dma source(%arg9 : memref<128x128xf32, #tpu.memory_space<vmem>>) target(%dma_start3A_231 : memref<10240x128xf32, #tpu.memory_space<vmem_shared>>) offsets(%arg7 : memref<128xi32, #tpu.memory_space<vmem>>) semaphore(%run_scoped3A : memref<!tpu.dma_semaphore, #tpu.memory_space<semaphore_mem>>) {add = true}
        %dma_wait3A_232 = arith.constant 0 : i32
        %dma_wait3A_233 = arith.constant 0 : i32
        %dma_wait3A_234 = tpu.memref_slice %arg10[%dma_wait3A_232, %dma_wait3A_233] : memref<10240x128xf32, #tpu.memory_space<vmem_shared>> -> memref<10240x128xf32, #tpu.memory_space<vmem_shared>>
        tpu.wait_indirect_dma semaphore(%run_scoped3A : memref<!tpu.dma_semaphore, #tpu.memory_space<semaphore_mem>>) src(%arg9 : memref<128x128xf32, #tpu.memory_space<vmem>>) dst(%dma_wait3A_234 : memref<10240x128xf32, #tpu.memory_space<vmem_shared>>)
        tpu.yield
      }) : () -> ()
      %add3A_207 = arith.constant 0 : i32
      %add3A_208 = arith.addi %add3A_207, %mul3A_144 : i32
      %add3A_209 = arith.constant 3 : i32
      %add3A_210 = arith.addi %add3A_208, %add3A_209 : i32
      %mul3A_211 = arith.constant 80 : i32
      %mul3A_212 = arith.muli %add3A, %mul3A_211 : i32
      %add3A_213 = arith.addi %mul3A_212, %add3A_210 : i32
      %mul3A_214 = arith.constant 128 : i32
      %mul3A_215 = arith.muli %add3A_213, %mul3A_214 : i32
      %dma_start3A_216 = arith.constant 0 : i32
      %dma_start3A_217 = tpu.memref_slice %arg3[%dma_start3A_216, %mul3A_215] : memref<2x320000xi32, #tpu.memory_space<hbm>> -> memref<1x128xi32, #tpu.memory_space<hbm>>
      %dma_start3A_218 = tpu.memref_squeeze %dma_start3A_217 : memref<1x128xi32, #tpu.memory_space<hbm>> -> memref<128xi32, #tpu.memory_space<hbm>>
      %dma_start3A_219 = tpu.memref_slice %arg3[%dma_start3A_216, %mul3A_215] : memref<2x320000xi32, #tpu.memory_space<hbm>> -> memref<1x128xi32, #tpu.memory_space<hbm>>
      %dma_start3A_220 = tpu.memref_squeeze %dma_start3A_219 : memref<1x128xi32, #tpu.memory_space<hbm>> -> memref<128xi32, #tpu.memory_space<hbm>>
      tpu.enqueue_dma source(%dma_start3A_220 : memref<128xi32, #tpu.memory_space<hbm>>) target(%arg7 : memref<128xi32, #tpu.memory_space<vmem>>) target_semaphore(%arg14 : memref<!tpu.dma_semaphore, #tpu.memory_space<semaphore_mem>>)
      %add3A_221 = arith.constant 3 : i32
      %add3A_222 = arith.addi %mul3A_144, %add3A_221 : i32
      %mul3A_223 = arith.constant 128 : i32
      %mul3A_224 = arith.muli %add3A_222, %mul3A_223 : i32
      %dma_start3A_225 = tpu.memref_slice %arg5[%mul3A_224] : memref<10240xi32, #tpu.memory_space<vmem>> -> memref<128xi32, #tpu.memory_space<vmem>>
      %dma_start3A_226 = arith.constant 0 : i32
      %dma_start3A_227 = arith.constant 0 : i32
      %dma_start3A_228 = tpu.memref_slice %arg2[%dma_start3A_226, %dma_start3A_227] : memref<10000x128xf32, #tpu.memory_space<hbm>> -> memref<10000x128xf32, #tpu.memory_space<hbm>>
      tpu.enqueue_indirect_dma source(%dma_start3A_228 : memref<10000x128xf32, #tpu.memory_space<hbm>>) target(%arg9 : memref<128x128xf32, #tpu.memory_space<vmem>>) offsets(%dma_start3A_225 : memref<128xi32, #tpu.memory_space<vmem>>) semaphore(%arg12 : memref<!tpu.dma_semaphore, #tpu.memory_space<semaphore_mem>>)
    }
    %sub3A_96 = arith.constant 2 : i32
    %sub3A_97 = arith.subi %select_n3A, %sub3A_96 : i32
    %add3A_98 = arith.constant 0 : i32
    %add3A_99 = arith.addi %add3A_98, %sub3A_97 : i32
    %mul3A_100 = arith.constant 80 : i32
    %mul3A_101 = arith.muli %add3A, %mul3A_100 : i32
    %add3A_102 = arith.addi %mul3A_101, %add3A_99 : i32
    %mul3A_103 = arith.constant 128 : i32
    %mul3A_104 = arith.muli %add3A_102, %mul3A_103 : i32
    %dma_wait3A = arith.constant 0 : i32
    %dma_wait3A_105 = tpu.memref_slice %arg3[%dma_wait3A, %mul3A_104] : memref<2x320000xi32, #tpu.memory_space<hbm>> -> memref<1x128xi32, #tpu.memory_space<hbm>>
    %dma_wait3A_106 = tpu.memref_squeeze %dma_wait3A_105 : memref<1x128xi32, #tpu.memory_space<hbm>> -> memref<128xi32, #tpu.memory_space<hbm>>
    %dma_wait3A_107 = tpu.memref_slice %arg3[%dma_wait3A, %mul3A_104] : memref<2x320000xi32, #tpu.memory_space<hbm>> -> memref<1x128xi32, #tpu.memory_space<hbm>>
    %dma_wait3A_108 = tpu.memref_squeeze %dma_wait3A_107 : memref<1x128xi32, #tpu.memory_space<hbm>> -> memref<128xi32, #tpu.memory_space<hbm>>
    tpu.wait_dma2 semaphore(%arg13 : memref<!tpu.dma_semaphore, #tpu.memory_space<semaphore_mem>>) src(%dma_wait3A_108 : memref<128xi32, #tpu.memory_space<hbm>>) dst(%arg6 : memref<128xi32, #tpu.memory_space<vmem>>)
    %mul3A_109 = arith.constant 128 : i32
    %mul3A_110 = arith.muli %sub3A_97, %mul3A_109 : i32
    %dma_wait3A_111 = tpu.memref_slice %arg5[%mul3A_110] : memref<10240xi32, #tpu.memory_space<vmem>> -> memref<128xi32, #tpu.memory_space<vmem>>
    %dma_wait3A_112 = arith.constant 0 : i32
    %dma_wait3A_113 = arith.constant 0 : i32
    %dma_wait3A_114 = tpu.memref_slice %arg2[%dma_wait3A_112, %dma_wait3A_113] : memref<10000x128xf32, #tpu.memory_space<hbm>> -> memref<10000x128xf32, #tpu.memory_space<hbm>>
    tpu.wait_indirect_dma semaphore(%arg11 : memref<!tpu.dma_semaphore, #tpu.memory_space<semaphore_mem>>) src(%dma_wait3A_114 : memref<10000x128xf32, #tpu.memory_space<hbm>>) dst(%arg8 : memref<128x128xf32, #tpu.memory_space<vmem>>)
    "tpu.region"() ({
      %run_scoped3A = tpu.sem_alloc : memref<!tpu.dma_semaphore, #tpu.memory_space<semaphore_mem>>
      %dma_start3A_142 = arith.constant 0 : i32
      %dma_start3A_143 = arith.constant 0 : i32
      %dma_start3A_144 = tpu.memref_slice %arg10[%dma_start3A_142, %dma_start3A_143] : memref<10240x128xf32, #tpu.memory_space<vmem_shared>> -> memref<10240x128xf32, #tpu.memory_space<vmem_shared>>
      tpu.enqueue_indirect_dma source(%arg8 : memref<128x128xf32, #tpu.memory_space<vmem>>) target(%dma_start3A_144 : memref<10240x128xf32, #tpu.memory_space<vmem_shared>>) offsets(%arg6 : memref<128xi32, #tpu.memory_space<vmem>>) semaphore(%run_scoped3A : memref<!tpu.dma_semaphore, #tpu.memory_space<semaphore_mem>>) {add = true}
      %dma_wait3A_145 = arith.constant 0 : i32
      %dma_wait3A_146 = arith.constant 0 : i32
      %dma_wait3A_147 = tpu.memref_slice %arg10[%dma_wait3A_145, %dma_wait3A_146] : memref<10240x128xf32, #tpu.memory_space<vmem_shared>> -> memref<10240x128xf32, #tpu.memory_space<vmem_shared>>
      tpu.wait_indirect_dma semaphore(%run_scoped3A : memref<!tpu.dma_semaphore, #tpu.memory_space<semaphore_mem>>) src(%arg8 : memref<128x128xf32, #tpu.memory_space<vmem>>) dst(%dma_wait3A_147 : memref<10240x128xf32, #tpu.memory_space<vmem_shared>>)
      tpu.yield
    }) : () -> ()
    %add3A_115 = arith.constant 0 : i32
    %add3A_116 = arith.addi %add3A_115, %sub3A_97 : i32
    %add3A_117 = arith.constant 1 : i32
    %add3A_118 = arith.addi %add3A_116, %add3A_117 : i32
    %mul3A_119 = arith.constant 80 : i32
    %mul3A_120 = arith.muli %add3A, %mul3A_119 : i32
    %add3A_121 = arith.addi %mul3A_120, %add3A_118 : i32
    %mul3A_122 = arith.constant 128 : i32
    %mul3A_123 = arith.muli %add3A_121, %mul3A_122 : i32
    %dma_wait3A_124 = arith.constant 0 : i32
    %dma_wait3A_125 = tpu.memref_slice %arg3[%dma_wait3A_124, %mul3A_123] : memref<2x320000xi32, #tpu.memory_space<hbm>> -> memref<1x128xi32, #tpu.memory_space<hbm>>
    %dma_wait3A_126 = tpu.memref_squeeze %dma_wait3A_125 : memref<1x128xi32, #tpu.memory_space<hbm>> -> memref<128xi32, #tpu.memory_space<hbm>>
    %dma_wait3A_127 = tpu.memref_slice %arg3[%dma_wait3A_124, %mul3A_123] : memref<2x320000xi32, #tpu.memory_space<hbm>> -> memref<1x128xi32, #tpu.memory_space<hbm>>
    %dma_wait3A_128 = tpu.memref_squeeze %dma_wait3A_127 : memref<1x128xi32, #tpu.memory_space<hbm>> -> memref<128xi32, #tpu.memory_space<hbm>>
    tpu.wait_dma2 semaphore(%arg14 : memref<!tpu.dma_semaphore, #tpu.memory_space<semaphore_mem>>) src(%dma_wait3A_128 : memref<128xi32, #tpu.memory_space<hbm>>) dst(%arg7 : memref<128xi32, #tpu.memory_space<vmem>>)
    %add3A_129 = arith.constant 1 : i32
    %add3A_130 = arith.addi %sub3A_97, %add3A_129 : i32
    %mul3A_131 = arith.constant 128 : i32
    %mul3A_132 = arith.muli %add3A_130, %mul3A_131 : i32
    %dma_wait3A_133 = tpu.memref_slice %arg5[%mul3A_132] : memref<10240xi32, #tpu.memory_space<vmem>> -> memref<128xi32, #tpu.memory_space<vmem>>
    %dma_wait3A_134 = arith.constant 0 : i32
    %dma_wait3A_135 = arith.constant 0 : i32
    %dma_wait3A_136 = tpu.memref_slice %arg2[%dma_wait3A_134, %dma_wait3A_135] : memref<10000x128xf32, #tpu.memory_space<hbm>> -> memref<10000x128xf32, #tpu.memory_space<hbm>>
    tpu.wait_indirect_dma semaphore(%arg12 : memref<!tpu.dma_semaphore, #tpu.memory_space<semaphore_mem>>) src(%dma_wait3A_136 : memref<10000x128xf32, #tpu.memory_space<hbm>>) dst(%arg9 : memref<128x128xf32, #tpu.memory_space<vmem>>)
    "tpu.region"() ({
      %run_scoped3A = tpu.sem_alloc : memref<!tpu.dma_semaphore, #tpu.memory_space<semaphore_mem>>
      %dma_start3A_142 = arith.constant 0 : i32
      %dma_start3A_143 = arith.constant 0 : i32
      %dma_start3A_144 = tpu.memref_slice %arg10[%dma_start3A_142, %dma_start3A_143] : memref<10240x128xf32, #tpu.memory_space<vmem_shared>> -> memref<10240x128xf32, #tpu.memory_space<vmem_shared>>
      tpu.enqueue_indirect_dma source(%arg9 : memref<128x128xf32, #tpu.memory_space<vmem>>) target(%dma_start3A_144 : memref<10240x128xf32, #tpu.memory_space<vmem_shared>>) offsets(%arg7 : memref<128xi32, #tpu.memory_space<vmem>>) semaphore(%run_scoped3A : memref<!tpu.dma_semaphore, #tpu.memory_space<semaphore_mem>>) {add = true}
      %dma_wait3A_145 = arith.constant 0 : i32
      %dma_wait3A_146 = arith.constant 0 : i32
      %dma_wait3A_147 = tpu.memref_slice %arg10[%dma_wait3A_145, %dma_wait3A_146] : memref<10240x128xf32, #tpu.memory_space<vmem_shared>> -> memref<10240x128xf32, #tpu.memory_space<vmem_shared>>
      tpu.wait_indirect_dma semaphore(%run_scoped3A : memref<!tpu.dma_semaphore, #tpu.memory_space<semaphore_mem>>) src(%arg9 : memref<128x128xf32, #tpu.memory_space<vmem>>) dst(%dma_wait3A_147 : memref<10240x128xf32, #tpu.memory_space<vmem_shared>>)
      tpu.yield
    }) : () -> ()
    %barrier3A_137 = arith.constant 0 : index
    tpu.barrier barrier_id(%barrier3A_137)
    %mul3A_138 = arith.constant 640 : i32
    %mul3A_139 = arith.muli %arg1, %mul3A_138 : i32
    %mul3A_140 = arith.constant 640 : i32
    %mul3A_141 = arith.muli %arg1, %mul3A_140 : i32
    "tpu.region"() ({
      %run_scoped3A = tpu.sem_alloc : memref<!tpu.dma_semaphore, #tpu.memory_space<semaphore_mem>>
      %dma_start3A_142 = arith.constant 0 : i32
      %dma_start3A_143 = tpu.memref_slice %arg4[%arg0, %mul3A_141, %dma_start3A_142] : memref<2x10240x128xf32, #tpu.memory_space<hbm>> -> memref<1x640x128xf32, #tpu.memory_space<hbm>>
      %dma_start3A_144 = tpu.memref_squeeze %dma_start3A_143 : memref<1x640x128xf32, #tpu.memory_space<hbm>> -> memref<640x128xf32, #tpu.memory_space<hbm>>
      %dma_start3A_145 = arith.constant 0 : i32
      %dma_start3A_146 = tpu.memref_slice %arg10[%mul3A_139, %dma_start3A_145] : memref<10240x128xf32, #tpu.memory_space<vmem_shared>> -> memref<640x128xf32, #tpu.memory_space<vmem_shared>>
      tpu.enqueue_dma source(%dma_start3A_146 : memref<640x128xf32, #tpu.memory_space<vmem_shared>>) target(%dma_start3A_144 : memref<640x128xf32, #tpu.memory_space<hbm>>) target_semaphore(%run_scoped3A : memref<!tpu.dma_semaphore, #tpu.memory_space<semaphore_mem>>)
      %dma_wait3A_147 = arith.constant 0 : i32
      %dma_wait3A_148 = tpu.memref_slice %arg4[%arg0, %mul3A_141, %dma_wait3A_147] : memref<2x10240x128xf32, #tpu.memory_space<hbm>> -> memref<1x640x128xf32, #tpu.memory_space<hbm>>
      %dma_wait3A_149 = tpu.memref_squeeze %dma_wait3A_148 : memref<1x640x128xf32, #tpu.memory_space<hbm>> -> memref<640x128xf32, #tpu.memory_space<hbm>>
      %dma_wait3A_150 = arith.constant 0 : i32
      %dma_wait3A_151 = tpu.memref_slice %arg10[%mul3A_139, %dma_wait3A_150] : memref<10240x128xf32, #tpu.memory_space<vmem_shared>> -> memref<640x128xf32, #tpu.memory_space<vmem_shared>>
      tpu.wait_dma2 semaphore(%run_scoped3A : memref<!tpu.dma_semaphore, #tpu.memory_space<semaphore_mem>>) src(%dma_wait3A_151 : memref<640x128xf32, #tpu.memory_space<vmem_shared>>) dst(%dma_wait3A_149 : memref<640x128xf32, #tpu.memory_space<hbm>>)
      tpu.yield
    }) : () -> ()
    return
  }
}

module attributes {stable_mosaic.version = 14 : i64} {
  func.func @_tc_mlp_body(%arg0: i32, %arg1: memref<1000x128xf32, #tpu.memory_space<vmem>>, %arg2: memref<1x1000x128xf32, #tpu.memory_space<vmem>>, %arg3: memref<1x1000x128xf32, #tpu.memory_space<vmem>>, %arg4: memref<1x1xf32, #tpu.memory_space<vmem>>, %arg5: memref<128x128xf32, #tpu.memory_space<vmem>>, %arg6: memref<1x128xf32, #tpu.memory_space<vmem>>, %arg7: memref<128x128xf32, #tpu.memory_space<vmem>>, %arg8: memref<1x128xf32, #tpu.memory_space<vmem>>, %arg9: memref<1x128xf32, #tpu.memory_space<vmem>>, %arg10: memref<1x128xf32, #tpu.memory_space<vmem>>, %arg11: memref<1000x128xf32, #tpu.memory_space<vmem>>) attributes {dimension_semantics = [#tpu.dimension_semantics<arbitrary>], iteration_bounds = array<i64: 10>, scalar_prefetch = 0 : i64, scratch_operands = 0 : i64, tpu.core_type = #tpu.core_type<tc>, window_params = [{transform_indices = @transform_0, window_bounds = array<i64: 1000, 128>}, {transform_indices = @transform_1, window_bounds = array<i64: 1, 1000, 128>}, {transform_indices = @transform_2, window_bounds = array<i64: 1, 1000, 128>}, {pipeline_mode = #tpu.pipeline_mode<synchronous>, transform_indices = @transform_3, window_bounds = array<i64: 1, 1>}, {pipeline_mode = #tpu.pipeline_mode<synchronous>, transform_indices = @transform_4, window_bounds = array<i64: 128, 128>}, {pipeline_mode = #tpu.pipeline_mode<synchronous>, transform_indices = @transform_5, window_bounds = array<i64: 1, 128>}, {pipeline_mode = #tpu.pipeline_mode<synchronous>, transform_indices = @transform_6, window_bounds = array<i64: 128, 128>}, {pipeline_mode = #tpu.pipeline_mode<synchronous>, transform_indices = @transform_7, window_bounds = array<i64: 1, 128>}, {pipeline_mode = #tpu.pipeline_mode<synchronous>, transform_indices = @transform_8, window_bounds = array<i64: 1, 128>}, {pipeline_mode = #tpu.pipeline_mode<synchronous>, transform_indices = @transform_9, window_bounds = array<i64: 1, 128>}, {transform_indices = @transform_10, window_bounds = array<i64: 1000, 128>}]} {
    %get3A = arith.constant 0 : index
    %get3A_0 = arith.constant 0 : index
    %get3A_1 = vector.load %arg4[%get3A, %get3A_0] : memref<1x1xf32, #tpu.memory_space<vmem>>, vector<1x1xf32>
    %get3A_2 = vector.extract %get3A_1[0, 0] : f32 from vector<1x1xf32>
    %add3A = arith.constant 1.000000e+00 : f32
    %add3A_3 = arith.addf %add3A, %get3A_2 : f32
    %get3A_4 = arith.constant 0 : index
    %get3A_5 = arith.constant 0 : index
    %get3A_6 = vector.load %arg1[%get3A_4, %get3A_5] : memref<1000x128xf32, #tpu.memory_space<vmem>>, vector<1000x128xf32>
    %mul3A = vector.broadcast %add3A_3 : f32 to vector<1000x128xf32>
    %mul3A_7 = arith.mulf %mul3A, %get3A_6 : vector<1000x128xf32>
    %get3A_8 = arith.constant 0 : index
    %get3A_9 = arith.constant 0 : index
    %get3A_10 = arith.constant 0 : index
    %get3A_11 = vector.load %arg2[%get3A_8, %get3A_9, %get3A_10] : memref<1x1000x128xf32, #tpu.memory_space<vmem>>, vector<1x1000x128xf32>
    %get3A_12 = vector.shape_cast %get3A_11 : vector<1x1000x128xf32> to vector<1000x128xf32>
    %add3A_13 = arith.addf %mul3A_7, %get3A_12 : vector<1000x128xf32>
    %get3A_14 = arith.constant 0 : index
    %get3A_15 = arith.constant 0 : index
    %get3A_16 = arith.constant 0 : index
    %get3A_17 = vector.load %arg3[%get3A_14, %get3A_15, %get3A_16] : memref<1x1000x128xf32, #tpu.memory_space<vmem>>, vector<1x1000x128xf32>
    %get3A_18 = vector.shape_cast %get3A_17 : vector<1x1000x128xf32> to vector<1000x128xf32>
    %add3A_19 = arith.addf %add3A_13, %get3A_18 : vector<1000x128xf32>
    %get3A_20 = arith.constant 0 : index
    %get3A_21 = arith.constant 0 : index
    %get3A_22 = vector.load %arg5[%get3A_20, %get3A_21] : memref<128x128xf32, #tpu.memory_space<vmem>>, vector<128x128xf32>
    %dot_general3A = arith.constant dense<0.000000e+00> : vector<1000x128xf32>
    %dot_general3A_23 = tpu.matmul %add3A_19, %get3A_22, %dot_general3A {dimension_numbers = #tpu.dot_dimension_numbers<[1], [1], [0], [0], [0, 0, 1, 0], [], []>, transpose_lhs_hint = false} : vector<1000x128xf32>, vector<128x128xf32>, vector<1000x128xf32> -> vector<1000x128xf32>
    %get3A_24 = arith.constant 0 : index
    %get3A_25 = arith.constant 0 : index
    %get3A_26 = vector.load %arg6[%get3A_24, %get3A_25] : memref<1x128xf32, #tpu.memory_space<vmem>>, vector<1x128xf32>
    %add3A_27 = vector.broadcast %get3A_26 : vector<1x128xf32> to vector<1000x128xf32>
    %add3A_28 = arith.addf %dot_general3A_23, %add3A_27 : vector<1000x128xf32>
    %max3A = arith.constant 0.000000e+00 : f32
    %max3A_29 = vector.broadcast %max3A : f32 to vector<1000x128xf32>
    %max3A_30 = arith.maximumf %add3A_28, %max3A_29 : vector<1000x128xf32>
    %get3A_31 = arith.constant 0 : index
    %get3A_32 = arith.constant 0 : index
    %get3A_33 = vector.load %arg7[%get3A_31, %get3A_32] : memref<128x128xf32, #tpu.memory_space<vmem>>, vector<128x128xf32>
    %dot_general3A_34 = arith.constant dense<0.000000e+00> : vector<1000x128xf32>
    %dot_general3A_35 = tpu.matmul %max3A_30, %get3A_33, %dot_general3A_34 {dimension_numbers = #tpu.dot_dimension_numbers<[1], [1], [0], [0], [0, 0, 1, 0], [], []>, transpose_lhs_hint = false} : vector<1000x128xf32>, vector<128x128xf32>, vector<1000x128xf32> -> vector<1000x128xf32>
    %get3A_36 = arith.constant 0 : index
    %get3A_37 = arith.constant 0 : index
    %get3A_38 = vector.load %arg8[%get3A_36, %get3A_37] : memref<1x128xf32, #tpu.memory_space<vmem>>, vector<1x128xf32>
    %add3A_39 = vector.broadcast %get3A_38 : vector<1x128xf32> to vector<1000x128xf32>
    %add3A_40 = arith.addf %dot_general3A_35, %add3A_39 : vector<1000x128xf32>
    %reduce_sum3A = arith.constant dense<0.000000e+00> : vector<1000xf32>
    %reduce_sum3A_41 = vector.multi_reduction <add>, %add3A_40, %reduce_sum3A [1] : vector<1000x128xf32> to vector<1000xf32>
    %broadcast_in_dim3A = vector.shape_cast %reduce_sum3A_41 : vector<1000xf32> to vector<1000x1xf32>
    %div3A = arith.constant 1.280000e+02 : f32
    %div3A_42 = vector.broadcast %div3A : f32 to vector<1000x1xf32>
    %div3A_43 = arith.divf %broadcast_in_dim3A, %div3A_42 : vector<1000x1xf32>
    %sub3A = vector.broadcast %div3A_43 : vector<1000x1xf32> to vector<1000x128xf32>
    %sub3A_44 = arith.subf %add3A_40, %sub3A : vector<1000x128xf32>
    %mul3A_45 = arith.mulf %sub3A_44, %sub3A_44 : vector<1000x128xf32>
    %reduce_sum3A_46 = arith.constant dense<0.000000e+00> : vector<1000xf32>
    %reduce_sum3A_47 = vector.multi_reduction <add>, %mul3A_45, %reduce_sum3A_46 [1] : vector<1000x128xf32> to vector<1000xf32>
    %broadcast_in_dim3A_48 = vector.shape_cast %reduce_sum3A_47 : vector<1000xf32> to vector<1000x1xf32>
    %div3A_49 = arith.constant 1.280000e+02 : f32
    %div3A_50 = vector.broadcast %div3A_49 : f32 to vector<1000x1xf32>
    %div3A_51 = arith.divf %broadcast_in_dim3A_48, %div3A_50 : vector<1000x1xf32>
    %add3A_52 = arith.constant 9.99999974E-6 : f32
    %add3A_53 = vector.broadcast %add3A_52 : f32 to vector<1000x1xf32>
    %add3A_54 = arith.addf %div3A_51, %add3A_53 : vector<1000x1xf32>
    %rsqrt3A = math.rsqrt %add3A_54 : vector<1000x1xf32>
    %mul3A_55 = vector.broadcast %rsqrt3A : vector<1000x1xf32> to vector<1000x128xf32>
    %mul3A_56 = arith.mulf %sub3A_44, %mul3A_55 : vector<1000x128xf32>
    %get3A_57 = arith.constant 0 : index
    %get3A_58 = arith.constant 0 : index
    %get3A_59 = vector.load %arg9[%get3A_57, %get3A_58] : memref<1x128xf32, #tpu.memory_space<vmem>>, vector<1x128xf32>
    %mul3A_60 = vector.broadcast %get3A_59 : vector<1x128xf32> to vector<1000x128xf32>
    %mul3A_61 = arith.mulf %mul3A_56, %mul3A_60 : vector<1000x128xf32>
    %get3A_62 = arith.constant 0 : index
    %get3A_63 = arith.constant 0 : index
    %get3A_64 = vector.load %arg10[%get3A_62, %get3A_63] : memref<1x128xf32, #tpu.memory_space<vmem>>, vector<1x128xf32>
    %add3A_65 = vector.broadcast %get3A_64 : vector<1x128xf32> to vector<1000x128xf32>
    %add3A_66 = arith.addf %mul3A_61, %add3A_65 : vector<1000x128xf32>
    %swap3A = arith.constant 0 : index
    %swap3A_67 = arith.constant 0 : index
    %swap3A_68 = vector.load %arg11[%swap3A, %swap3A_67] : memref<1000x128xf32, #tpu.memory_space<vmem>>, vector<1000x128xf32>
    tpu.vector_store %arg11[%swap3A, %swap3A_67], %add3A_66 {strides = array<i32>} : memref<1000x128xf32, #tpu.memory_space<vmem>>, vector<1000x128xf32>,
    return
  }
  func.func @transform_0(%arg0: i32) -> (i32, i32) {
    %c0_i32 = arith.constant 0 : i32
    %c0_i32_0 = arith.constant 0 : i32
    return %arg0, %c0_i32 : i32, i32
  }
  func.func @transform_1(%arg0: i32) -> (i32, i32, i32) {
    %c0_i32 = arith.constant 0 : i32
    %c0_i32_0 = arith.constant 0 : i32
    %c0_i32_1 = arith.constant 0 : i32
    return %c0_i32, %arg0, %c0_i32_0 : i32, i32, i32
  }
  func.func @transform_2(%arg0: i32) -> (i32, i32, i32) {
    %c1_i32 = arith.constant 1 : i32
    %c0_i32 = arith.constant 0 : i32
    %c0_i32_0 = arith.constant 0 : i32
    return %c1_i32, %arg0, %c0_i32 : i32, i32, i32
  }
  func.func @transform_3(%arg0: i32) -> (i32, i32) {
    %c0_i32 = arith.constant 0 : i32
    %c0_i32_0 = arith.constant 0 : i32
    %c0_i32_1 = arith.constant 0 : i32
    return %c0_i32, %c0_i32_0 : i32, i32
  }
  func.func @transform_4(%arg0: i32) -> (i32, i32) {
    %c0_i32 = arith.constant 0 : i32
    %c0_i32_0 = arith.constant 0 : i32
    %c0_i32_1 = arith.constant 0 : i32
    return %c0_i32, %c0_i32_0 : i32, i32
  }
  func.func @transform_5(%arg0: i32) -> (i32, i32) {
    %c0_i32 = arith.constant 0 : i32
    %c0_i32_0 = arith.constant 0 : i32
    %c0_i32_1 = arith.constant 0 : i32
    return %c0_i32, %c0_i32_0 : i32, i32
  }
  func.func @transform_6(%arg0: i32) -> (i32, i32) {
    %c0_i32 = arith.constant 0 : i32
    %c0_i32_0 = arith.constant 0 : i32
    %c0_i32_1 = arith.constant 0 : i32
    return %c0_i32, %c0_i32_0 : i32, i32
  }
  func.func @transform_7(%arg0: i32) -> (i32, i32) {
    %c0_i32 = arith.constant 0 : i32
    %c0_i32_0 = arith.constant 0 : i32
    %c0_i32_1 = arith.constant 0 : i32
    return %c0_i32, %c0_i32_0 : i32, i32
  }
  func.func @transform_8(%arg0: i32) -> (i32, i32) {
    %c0_i32 = arith.constant 0 : i32
    %c0_i32_0 = arith.constant 0 : i32
    %c0_i32_1 = arith.constant 0 : i32
    return %c0_i32, %c0_i32_0 : i32, i32
  }
  func.func @transform_9(%arg0: i32) -> (i32, i32) {
    %c0_i32 = arith.constant 0 : i32
    %c0_i32_0 = arith.constant 0 : i32
    %c0_i32_1 = arith.constant 0 : i32
    return %c0_i32, %c0_i32_0 : i32, i32
  }
  func.func @transform_10(%arg0: i32) -> (i32, i32) {
    %c0_i32 = arith.constant 0 : i32
    %c0_i32_0 = arith.constant 0 : i32
    return %arg0, %c0_i32 : i32, i32
  }
}

</mosaic_0001>

<sc_bundles>
// kernel: kernel.4.cloned.1.call-start
scs
__scs_entry_jumppad:
0x0: {  	(pc) =	sbr.rel $0x88, $3  }
0x1: {  	(tag) =	ssettag $0x0;
	lr =	simm.s32 $0x1  }
0x2: {  	[smem:$0x3F98] =	sst lr;
	_ =	strace $0xD0000000  }
0x3: {  	_ = 	snop  }
0x4: {  	_ = 	snop  }
0x5: {  	_ = 	snop  }
0x6: {  	_ = 	snop  }
0x7: {  	_ = 	snop  }
__scs_overlays_trampoline_lowered:
0x8: {  	[smem:$0x3FA7] =	sst s0  }
0x9: {  	[smem:$0x3FA8] =	sst s1  }
0xa: {  	[smem:$0x3FA9] =	sst s2  }
0xb: {  	[smem:$0x3FAA] =	sst s3  }
0xc: {  	[smem:$0x3FAB] =	sst s4  }
0xd: {  	[smem:$0x3FAC] =	sst s5  }
0xe: {  	[smem:$0x3FAD] =	sst s6  }
0xf: {  	[smem:$0x3FAE] =	sst s7  }
0x10: {  	[smem:$0x3FAF] =	sst s8  }
0x11: {  	[smem:$0x3FB0] =	sst s9;
	s0 =	simm.s32 @!p0 $0x0  }
0x12: {  	s1 =	sld [smem:$0x3F96];
	s0 =	simm.s32 @p0 $0x1  }
0x13: {  	[smem:$0x3FB1] =	sst s0;
	s0 =	simm.s32 @!p1 $0x0  }
0x14: {  	s2 =	sld [smem:$0x3F95];
	s0 =	simm.s32 @p1 $0x1  }
0x15: {  	[smem:$0x3FB2] =	sst s0;
	s0 =	simm.s32 @!p2 $0x0  }
0x16: {  	s3 =	sld [smem:$0x3FDB];
	s0 =	simm.s32 @p2 $0x1  }
0x17: {  	s4 =	simm.s32 $0x1BF5;
	[smem:$0x3FB4] =	sst s0  }
0x18: {  	s0 =	sld [smem:$0x3F97];
	_ =	swait.ge [sflag:s4], $0x0  }
0x19: {  	s7 =	sld [smem:$0x3F98]  }
0x1a: {  	s8 =	sadd.s32 $0xFFFFE003, lr  }
0x1b: {  	s9 =	sadd.s32 $0xFFFFFEF7, lr;
	s5 =	simm.s32 $0xFFFFFFFF;
	p2 =	slt.u32 s8, $0xFFFFF086  }
0x1c: {  	p1 =	slt.u32 s9, $0xF7A;
	s5 =	simm.s32 @!p2 $0x0  }
0x1d: {  	s5 =	simm.s32 @p1 $0x1;
	p0 =	seq.s32 s7, s2  }
0x1e: {  	s7 =	smul.u32 @!p0 $0xF7A, s2;
	p2 =	seq.s32 @!p0 s5, $0x0  }
0x1f: {  	s9 =	smul.u32 $0xF7A, s1;
	s8 =	simm.s32 @!p0 $0x1BF5;
	p2 =	por !p2, p0  }
0x20: {  	[sflag:s8] =	ssyncset.s32 @!p0 $0xFFFFF086;
	s6 =	sadd.s32 @!p0 s3, s7;
	s7 =	simm.s32 @!p0 $0x108  }
0x21: {  	s3 =	sadd.s32 s3, s9;
	s6 =	sadd.s32 @!p0 $0x88, s6;
	s7 =	simm.s32 @p2 $0x1082  }
0x22: {  	[simem:s7], [sflag:s8] =	dma.local @!p0 [hbm:s6], $0xF7A  }
0x23: {  	s9 =	sor.u32 $0xD0000000, s2;
	s6 =	simm.s32 $0x108;
	_ =	swait.ge @!p0 [sflag:s8], $0x0  }
0x24: {  	s3 =	sadd.s32 $0x88, s3;
	s6 =	simm.s32 @!p1 $0x1082;
	[sflag:s4] =	ssyncset.s32 $0xFFFFF086  }
0x25: {  	[simem:s6], [sflag:s4] =	dma.local [hbm:s3], $0xF7A  }
0x26: {  	[smem:$0x3F98] =	sst s1;
	(tag) =	ssettag s2;
	_ =	strace s9  }
0x27: {  	s1 =	sld [smem:$0x3FA8]  }
0x28: {  	s2 =	sld [smem:$0x3FA9]  }
0x29: {  	s4 =	sld [smem:$0x3FAB]  }
0x2a: {  	p0 =	seq.s32 s5, $0x0;
	s5 =	sld [smem:$0x3FAC]  }
0x2b: {  	s6 =	sld [smem:$0x3FAD]  }
0x2c: {  	s7 =	sld [smem:$0x3FAE]  }
0x2d: {  	s3 =	simm.s32 $0x108;
	s8 =	sld [smem:$0x3FAF]  }
0x2e: {  	s3 =	simm.s32 @!p0 $0x1082;
	s9 =	sld [smem:$0x3FB0]  }
0x2f: {  	lr =	sadd.s32 s0, s3;
	s0 =	sld [smem:$0x3FA7]  }
0x30: {  	s3 =	sld [smem:$0x3FAA]  }
0x31: {  	[smem:$0x3FB3] =	sst s10  }
0x32: {  	s10 =	sld [smem:$0x3FB1];
	_ =	sdelay $0x3  }
0x33: {  	p0 =	seq.s32 s10, $0x1;
	s10 =	sld [smem:$0x3FB3];
	_ =	sdelay $0x3  }
0x34: {  	[smem:$0x3FB3] =	sst s10  }
0x35: {  	s10 =	sld [smem:$0x3FB2];
	_ =	sdelay $0x3  }
0x36: {  	p1 =	seq.s32 s10, $0x1;
	s10 =	sld [smem:$0x3FB3];
	_ =	sdelay $0x3  }
0x37: {  	[smem:$0x3FB3] =	sst s10  }
0x38: {  	s10 =	sld [smem:$0x3FB4]  }
0x39: {  	_ = 	snop;
	(pc) =	sbr.ind lr, $3  }
0x3a: {  	_ = 	snop  }
0x3b: {  	_ = 	snop  }
0x3c: {  	p2 =	seq.s32 s10, $0x1;
	s10 =	sld [smem:$0x3FB3]  }
0x3d: {  	_ =	shalt  }
0x3e: {  	_ =	shalt  }
0x3f: {  	_ =	shalt  }
0x40: {  	_ =	shalt  }
0x41: {  	_ =	shalt  }
0x42: {  	_ =	shalt  }
0x43: {  	_ =	shalt  }
0x44: {  	_ =	shalt  }
0x45: {  	_ =	shalt  }
0x46: {  	_ =	shalt  }
0x47: {  	_ =	shalt  }
0x48: {  	_ =	shalt  }
0x49: {  	_ =	shalt  }
0x4a: {  	_ =	shalt  }
0x4b: {  	_ =	shalt  }
0x4c: {  	_ =	shalt  }
0x4d: {  	_ =	shalt  }
0x4e: {  	_ =	shalt  }
0x4f: {  	_ =	shalt  }
0x50: {  	_ =	shalt  }
0x51: {  	_ =	shalt  }
0x52: {  	_ =	shalt  }
0x53: {  	_ =	shalt  }
0x54: {  	_ =	shalt  }
0x55: {  	_ =	shalt  }
0x56: {  	_ =	shalt  }
0x57: {  	_ =	shalt  }
0x58: {  	_ =	shalt  }
0x59: {  	_ =	shalt  }
0x5a: {  	_ =	shalt  }
0x5b: {  	_ =	shalt  }
0x5c: {  	_ =	shalt  }
0x5d: {  	_ =	shalt  }
0x5e: {  	_ =	shalt  }
0x5f: {  	_ =	shalt  }
0x60: {  	_ =	shalt  }
0x61: {  	_ =	shalt  }
0x62: {  	_ =	shalt  }
0x63: {  	_ =	shalt  }
0x64: {  	_ =	shalt  }
0x65: {  	_ =	shalt  }
0x66: {  	_ =	shalt  }
0x67: {  	_ =	shalt  }
0x68: {  	_ =	shalt  }
0x69: {  	_ =	shalt  }
0x6a: {  	_ =	shalt  }
0x6b: {  	_ =	shalt  }
0x6c: {  	_ =	shalt  }
0x6d: {  	_ =	shalt  }
0x6e: {  	_ =	shalt  }
0x6f: {  	_ =	shalt  }
0x70: {  	_ =	shalt  }
0x71: {  	_ =	shalt  }
0x72: {  	_ =	shalt  }
0x73: {  	_ =	shalt  }
0x74: {  	_ =	shalt  }
0x75: {  	_ =	shalt  }
0x76: {  	_ =	shalt  }
0x77: {  	_ =	shalt  }
0x78: {  	_ =	shalt  }
0x79: {  	_ =	shalt  }
0x7a: {  	_ =	shalt  }
0x7b: {  	_ =	shalt  }
0x7c: {  	_ =	shalt  }
0x7d: {  	_ =	shalt  }
0x7e: {  	_ =	shalt  }
0x7f: {  	_ =	shalt  }
0x80: {  	_ =	shalt  }
0x81: {  	_ =	shalt  }
0x82: {  	_ =	shalt  }
0x83: {  	_ =	shalt  }
0x84: {  	_ =	shalt  }
0x85: {  	_ =	shalt  }
0x86: {  	_ =	shalt  }
0x87: {  	_ =	shalt  }
.Lfunc_end0:
.L_simem_size_0:
called_computation_lowered:
.L_overlay_start_0:
0x88: {  	s2 =	sld [smem:$0x3FD9]  }
0x89: {  	s3 =	sld [smem:$0x3FFE];
	_ =	sdelay $0x1  }
0x8a: {  	s1 =	srdreg.scid  }
0x8b: {  	s0 =	sand.u32 $0x1, s1  }
0x8c: {  	s17 =	sshll.u32 s0, $0xA;
	s2 =	sadd.s32 s3, s2  }
0x8d: {  	s2 =	sadd.s32 s2, s17  }
0x8e: {  	[smem:$0x3FBF] =	sst s2  }
0x8f: {  	_ = 	snop  }
0x90: {  	s2 =	sld [smem:$0x3FC9]  }
0x91: {  	s18 =	sld [smem:$0x3FC8];
	(tm) =	ssettm $0x1  }
0x92: {  	s4 =	sld [smem:$0x3FFB];
	_ =	sdelay $0x3  }
0x93: {  	_ =	strace s4  }
0x94: {  	s4 =	sld [smem:$0x3FFC];
	_ =	sdelay $0x3  }
0x95: {  	_ =	strace s4  }
0x96: {  	s4 =	sld [smem:$0x3FFD];
	_ =	sdelay $0x3  }
0x97: {  	_ =	strace s4  }
0x98: {  	_ =	strace $0x8FFFFFFF  }
0x99: {  	s19 =	sld [smem:$0x3FDB];
	_ =	sdelay $0x1  }
0x9a: {  	s5 =	simm.s32 $_scs_section_size  }
0x9b: {  	s6 =	simm.s32 $_size__tile_overlayer_lowered;
	s7 =	simm.s32 $_tile_overlayer_lowered  }
0x9c: {  	s22 =	simm.s32 $0x1BFF;
	s21 =	sshll.u32 s7, $0x1;
	s4 =	sadd.s32 s5, s19  }
0x9d: {  	s8 =	simm.s32 $0x0;
	s20 =	sshll.u32 s6, $0x1;
	s6 =	sadd.s32 s21, s4  }
0x9e: {  	[timem:s8], [sflag:s22] =	dma.local [hbm:s6], s20  }
0x9f: {  	_ =	swait.ge [sflag:s22], s20  }
0xa0: {  	s5 =	ssub.s32 $0x0, s20;
	[sflag:s22] =	ssyncset.done $0x0  }
0xa1: {  	[sflag:s22] =	ssyncadd.s32 s5;
	_ =	sdelay $0x1  }
0xa2: {  	s23 =	simm.s32 $0x1B8B  }
0xa3: {  	_ =	swait.ge [sflag:s23], $0x1  }
0xa4: {  	[sflag:s23] =	ssyncset.done $0x0  }
0xa5: {  	s25 =	simm.s32 $0x1B8E;
	s24 =	sld [smem:$0x3FFE];
	[sflag:s23] =	ssyncadd.s32 $0xFFFFFFFF  }
0xa6: {  	s26 =	simm.s32 $execute0_lowered;
	[smem:$0x3FD2] =	sst s25  }
0xa7: {  	s6 =	sshll.u32 s26, $0x1;
	_ =	strace $0x80000046;
	[dreg:$0x1] =	wrdreg $0xFFFFFFFF  }
0xa8: {  	s28 =	simm.s32 $_size_execute0_lowered;
	s4 =	sadd.s32 s4, s6;
	[dreg:$0x0] =	wrdreg $0x0  }
0xa9: {  	s6 =	sshll.u32 s28, $0x1;
	[dreg:$0x2] =	wrdreg s4  }
0xaa: {  	[dreg:$0x3] =	wrdreg s6  }
0xab: {  	[dreg:$0x4] =	wrdreg $0xC0  }
0xac: {  	_ =	task [dreg:s8], $0x5FFFF  }
0xad: {  	[dreg:$0x1] =	wrdreg $0xFFFFFFFF  }
0xae: {  	[dreg:$0x0] =	wrdreg $0x60  }
0xaf: {  	[dreg:$0x2] =	wrdreg s2  }
0xb0: {  	[dreg:$0x3] =	wrdreg s18  }
0xb1: {  	[dreg:$0x4] =	wrdreg s24  }
0xb2: {  	[dreg:$0x5] =	wrdreg $0xA9000  }
0xb3: {  	[dreg:$0x6] =	wrdreg $0x9  }
0xb4: {  	_ =	task.clear_ibuf [dreg:s8], $0x7FFFF;
	_ =	strace $0x90000046  }
0xb5: {  	s29 =	simm.s32 $0x9;
	_ =	strace $0x80000048  }
0xb6: {  	_ =	swait.ge [sflag:s29], $0x1  }
0xb7: {  	[sflag:s29] =	ssyncadd.s32 $0xFFFFFFFF  }
0xb8: {  	_ =	strace $0x90000048  }
0xb9: {  	_ =	sfence  }
0xba: {  	s30 =	sld [smem:$0x0];
	_ =	sdelay $0x2  }
0xbb: {  	s31 =	sshll.u32 s1, $0xD;
	s1 =	sshrl.u32 s1, $0x2  }
0xbc: {  	s3 =	sand.u32 $0x4000, s31;
	s1 =	sadd.s32 s1, s30  }
0xbd: {  	s0 =	sor.u32 s3, s0;
	s1 =	sshll.u32 s1, $0x11  }
0xbe: {  	s0 =	sor.u32 s1, s0  }
0xbf: {  	s0 =	sadd.s32 $0x8F2B, s0  }
0xc0: {  	[sflag:s0] =	ssyncadd.remote.s32 $0x1  }
0xc1: {  	_ =	sfence.sel $0xFFFF  }
0xc2: {  	[dreg:$0x0] =	wrdreg $0xFFFFFFFF;
	(pc) =	sbr.abs _section_cstart, $3  }
0xc3: {  	[dreg:$0x1] =	wrdreg $0xFFFFFFFF  }
0xc4: {  	_ =	task.clear_ibuf [dreg:s8], $0x2FFFF;
	_ =	strace $0x9FFFFFFF  }
0xc5: {  	(tm) =	ssettm $0x7FFFFFFF  }
tec
execute0_lowered:
.L_overlay_start_1:
0x0: {  	(tag) =	ssettag $0x1  }
0x1: {  	s0 =	rddreg [dreg:$0x0]  }
0x2: {  	s1 =	rddreg [dreg:$0x1]  }
0x3: {  	s2 =	rddreg [dreg:$0x2];
	s4 =	srdreg.scid  }
0x4: {  	s3 =	rddreg [dreg:$0x3];
	s11 =	stileid.u32  }
0x5: {  	s13 =	simm.s32 $0x9;
	s19 =	simm.s32 $0x2800;
	s20 =	simm.s32 $0x80  }
0x6: {  	s21 =	simm.s32 $0x2900;
	s28 =	simm.s32 $0x4;
	s7 =	smul.u32 $0x14000, s11  }
0x7: {  	s29 =	simm.s32 $0x2;
	s30 =	simm.s32 $0x0;
	s10 =	smul.u32 $0x50000, s11  }
0x8: {  	s5 =	sand.u32 $0x1, s4;
	s4 =	simm.s32 $0x0;
	s25 =	smul.u32 $0x50, s11  }
0x9: {  	s31 =	sadd.s32 $0x13610, s1;
	s6 =	smul.u32 $0x140000, s5;
	[smem:$0x7FF] =	sst s4  }
0xa: {  	s22 =	ssub.s32 $0x2, s5;
	s8 =	sshll.u32 s5, $0x4;
	s12 =	smul.u32 $0x500, s5  }
0xb: {  	_ =	strace $0x80000047;
	s9 =	sshrl.u32 s22, $0x1;
	s8 =	sor.u32 s11, s8  }
0xc: {  	s24 =	sshrl.u32 s10, $0x2;
	[dreg:$0x6] =	wrdreg s31;
	s6 =	sadd.s32 s7, s6  }
0xd: {  	s7 =	ssub.s32 s22, s9;
	s23 =	smul.u32 $0xA00, s8;
	p0 =	seq.s32 s8, $0x1F  }
0xe: {  	s8 =	sadd.s32 s25, s12;
	s22 =	simm.s32 $0x6900;
	s25 =	simm.s32 $0x3  }
0xf: {  	s6 =	sshrl.u32 s6, $0x3;
	s8 =	sshll.u32 s8, $0x5;
	s13 =	simm.s32 @!p0 $0x27  }
0x10: {  	s16 =	smax.u32 s7, $0x1;
	s2 =	sadd.s32 s6, s2;
	s5 =	sadd.s32 s1, s23  }
0x11: {  	s6 =	sadd.s32 s24, s3;
	s1 =	sadd.s32 s8, s1;
	s23 =	simm.s32 $0x5  }
0x12: {  	s24 =	simm.s32 $0x2880;
	s26 =	sadd.s32 $0x10, s5;
	s9 =	sadd.s32 $0x4000, s6  }
0x13: {  	s10 =	sadd.s32 $0x8000, s6;
	s11 =	sadd.s32 $0xC000, s6;
	s12 =	sadd.s32 $0x10000, s6  }
0x14: {  	s14 =	sadd.s32 $0x20, s5;
	s15 =	sadd.s32 $0x1400, s2;
	s17 =	sadd.s32 $0x40, s1  }
0x15: {  	v0 =	vimm.f32 $0.0e+00;
	s18 =	sadd.s32 $0x60, s1;
	[dreg:$0x5] =	wrdreg s26;
	s26 =	simm.s32 $0x1  }
.LBB2_1:
0x16: {  	s1 =	simm.s32 $0x0;
	s2 =	simm.s32 $0x200  }
.LBB2_2:
0x17: {  	p1 =	sne.s32 s2, $0xFE00;
	[tilespmem:s1+$0x6970] =	vst v0  }
0x18: {  	[tilespmem:s1+$0x6900] =	vst v0  }
0x19: {  	[tilespmem:s1+$0x6910] =	vst v0  }
.Ltmp0:
0x1a: {  	[tilespmem:s1+$0x6920] =	vst v0;
	(pc) =	sbr.rel @p1 .LBB2_2-.Ltmp0, $4  }
0x1b: {  	[tilespmem:s1+$0x6930] =	vst v0  }
0x1c: {  	[tilespmem:s1+$0x6940] =	vst v0  }
0x1d: {  	[tilespmem:s1+$0x6950] =	vst v0  }
0x1e: {  	[tilespmem:s1+$0x6960] =	vst v0;
	s1 =	sshra.s32 s2, $0x2;
	s2 =	sadd.s32 $0x200, s2  }
0x1f: {  	[tilespmem:s1+$0x6970] =	vst v0  }
0x20: {  	[tilespmem:s1+$0x6900] =	vst v0  }
0x21: {  	[tilespmem:s1+$0x6910] =	vst v0  }
0x22: {  	[tilespmem:s1+$0x6920] =	vst v0  }
0x23: {  	[tilespmem:s1+$0x6930] =	vst v0  }
0x24: {  	[tilespmem:s1+$0x6940] =	vst v0  }
0x25: {  	[tilespmem:s1+$0x6950] =	vst v0  }
0x26: {  	[tilespmem:s1+$0x6960] =	vst v0;
	s1 =	simm.s32 @p0 $0x80  }
0x27: {  	s2 =	simm.s32 @p0 $0x100;
	s7 =	simm.s32 @p0 $0x0;
	s8 =	rddreg [dreg:$0x6]  }
0x28: {  	[tilespmem:s7], [sflag:$0x5] =	stream.strided.gather @p0 [hbm4b:s8+s1], $0xA00, s2, s1, $0x38;
	[tilespmem:$0x1E900] =	vst v63  }
0x29: {  	s1 =	simm.s32 @p0 $0x5  }
0x2a: {  	_ =	swait.ge @p0 [sflag:s1], $0xA00  }
0x2b: {  	s2 =	simm.s32 @!p0 $0x100;
	s7 =	simm.s32 @!p0 $0x0;
	[sflag:s1] =	ssyncset.done @p0 $0x0  }
0x2c: {  	s8 =	rddreg [dreg:$0x5];
	[sflag:s1] =	ssyncadd.s32 @p0 $0xFFFFF600;
	s1 =	simm.s32 @!p0 $0x80  }
0x2d: {  	[tilespmem:s7], [sflag:$0x5] =	stream.strided.gather @!p0 [hbm4b:s8+s1], $0x2800, s2, s1, $0x38;
	[tilespmem:$0x1E900] =	vst v63  }
0x2e: {  	s1 =	simm.s32 @!p0 $0x5  }
0x2f: {  	_ =	swait.ge @!p0 [sflag:s1], $0x2800  }
0x30: {  	[sflag:s1] =	ssyncset.done @!p0 $0x0  }
0x31: {  	[sflag:s1] =	ssyncadd.s32 @!p0 $0xFFFFD800  }
0x32: {  	[tilespmem:s19], [sflag:$0x3] =	stream.linear.gather [hbm4b:s5+s4], $0x80, $0x38;
	[tilespmem:$0x1E900] =	vst v63  }
0x33: {  	_ = 	snop  }
0x34: {  	[tilespmem:s21], [sflag:$0x1] =	stream.indirect.gather [hbm4b:s0+s20], $0x80, s4, s20, $0xb8;
	[tilespmem:$0x1E900] =	vst v63  }
0x35: {  	_ = 	snop  }
0x36: {  	[spmem:s6] =	stream.linear.scatter [tilespmem:s22], [sflag:$0x5], $0x4000, $0x38;
	[tilespmem:$0x1E900] =	vst v63  }
0x37: {  	_ =	swait.ge [sflag:s23], $0x4000  }
0x38: {  	[sflag:s23] =	ssyncset.done $0x0  }
0x39: {  	[sflag:s23] =	ssyncadd.s32 $0xFFFFC000  }
0x3a: {  	[spmem:s9] =	stream.linear.scatter [tilespmem:s22], [sflag:$0x5], $0x4000, $0x38;
	[tilespmem:$0x1E900] =	vst v63  }
0x3b: {  	_ =	swait.ge [sflag:s23], $0x4000  }
0x3c: {  	[sflag:s23] =	ssyncset.done $0x0  }
0x3d: {  	[sflag:s23] =	ssyncadd.s32 $0xFFFFC000  }
0x3e: {  	[spmem:s10] =	stream.linear.scatter [tilespmem:s22], [sflag:$0x5], $0x4000, $0x38;
	[tilespmem:$0x1E900] =	vst v63  }
0x3f: {  	_ =	swait.ge [sflag:s23], $0x4000  }
0x40: {  	[sflag:s23] =	ssyncset.done $0x0  }
0x41: {  	[sflag:s23] =	ssyncadd.s32 $0xFFFFC000  }
0x42: {  	[spmem:s11] =	stream.linear.scatter [tilespmem:s22], [sflag:$0x5], $0x4000, $0x38;
	[tilespmem:$0x1E900] =	vst v63  }
0x43: {  	_ =	swait.ge [sflag:s23], $0x4000  }
0x44: {  	[sflag:s23] =	ssyncset.done $0x0  }
0x45: {  	[sflag:s23] =	ssyncadd.s32 $0xFFFFC000  }
0x46: {  	[spmem:s12] =	stream.linear.scatter [tilespmem:s22], [sflag:$0x5], $0x4000, $0x38;
	[tilespmem:$0x1E900] =	vst v63  }
0x47: {  	_ =	swait.ge [sflag:s23], $0x4000  }
0x48: {  	[sflag:s23] =	ssyncset.done $0x0  }
0x49: {  	[sflag:s23] =	ssyncadd.s32 $0xFFFFC000  }
0x4a: {  	[bflag:$0x0] =	sbarrier.arrive $0xFFFF  }
0x4b: {  	[tilespmem:s24], [sflag:$0x4] =	stream.linear.gather [hbm4b:s14+s4], $0x80, $0x38;
	[tilespmem:$0x1E900] =	vst v63  }
0x4c: {  	_ = 	snop  }
0x4d: {  	[tilespmem:s22], [sflag:$0x2] =	stream.indirect.gather [hbm4b:s0+s20], $0x80, s20, s20, $0xb8;
	[tilespmem:$0x1E900] =	vst v63  }
0x4e: {  	_ =	swait.ge [sflag:s25], $0x80  }
0x4f: {  	[sflag:s25] =	ssyncset.done $0x0  }
0x50: {  	[sflag:s25] =	ssyncadd.s32 $0xFFFFFF80  }
0x51: {  	_ =	swait.ge [sflag:s26], $0x4000  }
0x52: {  	[sflag:s26] =	ssyncset.done $0x0  }
0x53: {  	[sflag:s26] =	ssyncadd.s32 $0xFFFFC000  }
0x54: {  	[spmem:s3] =	stream.indirect.scatter.add.f32 [tilespmem:s21], [sflag:$0x5], $0x80, s19, s20, $0xb8;
	[tilespmem:$0x1E900] =	vst v63  }
0x55: {  	_ =	swait.ge [sflag:s23], $0x4000  }
0x56: {  	[sflag:s23] =	ssyncset.done $0x0  }
0x57: {  	[sflag:s23] =	ssyncadd.s32 $0xFFFFC000  }
0x58: {  	[tilespmem:s19], [sflag:$0x3] =	stream.linear.gather [hbm4b:s17+s4], $0x80, $0x38;
	[tilespmem:$0x1E900] =	vst v63  }
0x59: {  	s8 =	simm.s32 $0x100  }
0x5a: {  	[tilespmem:s21], [sflag:$0x1] =	stream.indirect.gather [hbm4b:s0+s20], $0x80, s8, s20, $0xb8;
	[tilespmem:$0x1E900] =	vst v63  }
0x5b: {  	_ =	swait.ge [sflag:s28], $0x80  }
0x5c: {  	[sflag:s28] =	ssyncset.done $0x0  }
0x5d: {  	[sflag:s28] =	ssyncadd.s32 $0xFFFFFF80  }
0x5e: {  	_ =	swait.ge [sflag:s29], $0x4000  }
0x5f: {  	[sflag:s29] =	ssyncset.done $0x0  }
0x60: {  	p1 =	sne.s32 s13, $0x1;
	[sflag:s29] =	ssyncadd.s32 $0xFFFFC000  }
0x61: {  	[spmem:s3] =	stream.indirect.scatter.add.f32 [tilespmem:s22], [sflag:$0x5], $0x80, s24, s20, $0xb8;
	[tilespmem:$0x1E900] =	vst v63  }
.Ltmp1:
0x62: {  	_ = 	snop;
	(pc) =	sbr.rel @!p1 .LBB2_5-.Ltmp1, $4  }
0x63: {  	s31 =	sadd.s32 $0xFFFFFFFF, s13;
	_ =	swait.ge [sflag:s23], $0x4000  }
0x64: {  	s2 =	simm.s32 $0x200;
	s7 =	sadd.s32 $0x40, s17;
	[sflag:s23] =	ssyncset.done $0x0  }
0x65: {  	s1 =	sadd.s32 $0x40, s18;
	s8 =	simm.s32 $0x180;
	[sflag:s23] =	ssyncadd.s32 $0xFFFFC000  }
0x66: {  	[tilespmem:s24], [sflag:$0x4] =	stream.linear.gather [hbm4b:s18+s4], $0x80, $0x38;
	[tilespmem:$0x1E900] =	vst v63  }
.LBB2_4:
0x67: {  	[tilespmem:s22], [sflag:$0x2] =	stream.indirect.gather [hbm4b:s0+s20], $0x80, s8, s20, $0xb8;
	[tilespmem:$0x1E900] =	vst v63  }
0x68: {  	p1 =	sne.s32 s31, $0x1;
	s31 =	sadd.s32 $0xFFFFFFFF, s31;
	_ =	swait.ge [sflag:s25], $0x80  }
0x69: {  	s8 =	smov.u32 s1;
	[sflag:s25] =	ssyncset.done $0x0  }
0x6a: {  	[sflag:s25] =	ssyncadd.s32 $0xFFFFFF80  }
0x6b: {  	_ =	swait.ge [sflag:s26], $0x4000  }
0x6c: {  	[sflag:s26] =	ssyncset.done $0x0  }
0x6d: {  	[sflag:s26] =	ssyncadd.s32 $0xFFFFC000  }
0x6e: {  	[spmem:s3] =	stream.indirect.scatter.add.f32 [tilespmem:s21], [sflag:$0x5], $0x80, s19, s20, $0xb8;
	[tilespmem:$0x1E900] =	vst v63  }
0x6f: {  	_ =	swait.ge [sflag:s23], $0x4000  }
0x70: {  	[sflag:s23] =	ssyncset.done $0x0  }
0x71: {  	[sflag:s23] =	ssyncadd.s32 $0xFFFFC000  }
0x72: {  	[tilespmem:s19], [sflag:$0x3] =	stream.linear.gather [hbm4b:s7+s4], $0x80, $0x38;
	[tilespmem:$0x1E900] =	vst v63  }
0x73: {  	_ = 	snop  }
0x74: {  	[tilespmem:s21], [sflag:$0x1] =	stream.indirect.gather [hbm4b:s0+s20], $0x80, s2, s20, $0xb8;
	[tilespmem:$0x1E900] =	vst v63  }
0x75: {  	_ =	swait.ge [sflag:s28], $0x80  }
0x76: {  	[sflag:s28] =	ssyncset.done $0x0  }
0x77: {  	[sflag:s28] =	ssyncadd.s32 $0xFFFFFF80  }
0x78: {  	_ =	swait.ge [sflag:s29], $0x4000  }
0x79: {  	[sflag:s29] =	ssyncset.done $0x0  }
0x7a: {  	[sflag:s29] =	ssyncadd.s32 $0xFFFFC000  }
0x7b: {  	[spmem:s3] =	stream.indirect.scatter.add.f32 [tilespmem:s22], [sflag:$0x5], $0x80, s24, s20, $0xb8;
	[tilespmem:$0x1E900] =	vst v63  }
.Ltmp2:
0x7c: {  	_ =	swait.ge [sflag:s23], $0x4000;
	(pc) =	sbr.rel @p1 .LBB2_4-.Ltmp2, $4  }
0x7d: {  	[sflag:s23] =	ssyncset.done $0x0  }
0x7e: {  	s1 =	sadd.s32 $0x40, s1;
	[sflag:s23] =	ssyncadd.s32 $0xFFFFC000  }
0x7f: {  	[tilespmem:s24], [sflag:$0x4] =	stream.linear.gather [hbm4b:s8+s4], $0x80, $0x38;
	[tilespmem:$0x1E900] =	vst v63  }
0x80: {  	s7 =	sadd.s32 $0x40, s7;
	s8 =	sadd.s32 $0x80, s2;
	s2 =	sadd.s32 $0x100, s2  }
.LBB2_5:
0x81: {  	[tilespmem:s22], [sflag:$0x2] =	stream.indirect.gather [hbm4b:s0+s20], $0x80, s8, s20, $0xb8;
	[tilespmem:$0x1E900] =	vst v63  }
0x82: {  	_ =	swait.ge [sflag:s25], $0x80  }
0x83: {  	[sflag:s25] =	ssyncset.done $0x0  }
0x84: {  	[sflag:s25] =	ssyncadd.s32 $0xFFFFFF80  }
0x85: {  	_ =	swait.ge [sflag:s26], $0x4000  }
0x86: {  	[sflag:s26] =	ssyncset.done $0x0  }
0x87: {  	[sflag:s26] =	ssyncadd.s32 $0xFFFFC000  }
0x88: {  	[spmem:s3] =	stream.indirect.scatter.add.f32 [tilespmem:s21], [sflag:$0x5], $0x80, s19, s20, $0xb8;
	[tilespmem:$0x1E900] =	vst v63  }
0x89: {  	_ =	swait.ge [sflag:s23], $0x4000  }
0x8a: {  	[sflag:s23] =	ssyncset.done $0x0  }
0x8b: {  	[sflag:s23] =	ssyncadd.s32 $0xFFFFC000  }
0x8c: {  	_ =	swait.ge [sflag:s28], $0x80  }
0x8d: {  	[sflag:s28] =	ssyncset.done $0x0  }
0x8e: {  	[sflag:s28] =	ssyncadd.s32 $0xFFFFFF80  }
0x8f: {  	_ =	swait.ge [sflag:s29], $0x4000  }
0x90: {  	[sflag:s29] =	ssyncset.done $0x0  }
0x91: {  	[sflag:s29] =	ssyncadd.s32 $0xFFFFC000  }
0x92: {  	[spmem:s3] =	stream.indirect.scatter.add.f32 [tilespmem:s22], [sflag:$0x5], $0x80, s24, s20, $0xb8;
	[tilespmem:$0x1E900] =	vst v63  }
0x93: {  	s1 =	stileid.u32;
	_ =	swait.ge [sflag:s23], $0x4000  }
0x94: {  	s2 =	sshrl.u32 s6, $0x3;
	s30 =	sadd.s32 $0x1, s30;
	[sflag:s23] =	ssyncset.done $0x0  }
0x95: {  	s1 =	sshll.u32 s1, $0x6;
	p1 =	sne.s32 s30, s16;
	[sflag:s23] =	ssyncadd.s32 $0xFFFFC000  }
.Ltmp3:
0x96: {  	s1 =	sor.u32 $0x1C05, s1;
	[bflag:$0x0] =	sbarrier.arrive $0xFFFF;
	(pc) =	sbr.rel @p1 .LBB2_1-.Ltmp3, $4  }
0x97: {  	[hbm:s15], [sflag:s1] =	dma.local [spmem:s2], $0x2800  }
0x98: {  	_ =	swait.ge [sflag:s23], $0x2800  }
0x99: {  	[sflag:s23] =	ssyncset.done $0x0  }
0x9a: {  	[sflag:s23] =	ssyncadd.s32 $0xFFFFD800  }
0x9b: {  	_ =	sfence.sel $0x180000  }
0x9c: {  	[bflag:$0x0] =	sbarrier.arrive $0xFFFF  }
0x9d: {  	_ =	strace $0x90000047  }
0x9e: {  	s0 =	stileid.u32;
	[bflag:$0x2] =	sbarrier.arrive $0xFFFF  }
0x9f: {  	p0 =	sne.s32 s0, $0x0;
	s0 =	rddreg [dreg:$0x4]  }
0xa0: {  	s0 =	sadd.s32 @!p0 $0x100000, s0  }
0xa1: {  	[sflag:s0] =	ssyncadd.tile.s32 @!p0 $0x1;
	_ =	shalt  }
.Lfunc_end2:
_tile_overlayer_lowered:
.L_overlay_start_2:
0xa2: {  	(tag) =	ssettag $0x2  }
0xa3: {  	s0 =	rddreg [dreg:$0x0];
	s2 =	stileid.u32  }
0xa4: {  	s1 =	rddreg [dreg:$0x1];
	p0 =	sne.s32 s2, $0x0  }
0xa5: {  	s3 =	rddreg [dreg:$0x2];
	[bflag:$0x3] =	sbarrier.arrive $0xFFFF;
	s2 =	simm.s32 @!p0 $0x1C05  }
0xa6: {  	[timem:s3], [sflag:s2] =	dma.local @!p0 [hbm:s0], s1  }
0xa7: {  	s0 =	simm.s32 @!p0 $0x5  }
0xa8: {  	_ =	swait.ge @!p0 [sflag:s0], s1  }
0xa9: {  	s1 =	ssub.s32 @!p0 $0x0, s1;
	[sflag:s0] =	ssyncset.done @!p0 $0x0  }
0xaa: {  	[sflag:s0] =	ssyncadd.s32 @!p0 s1  }
0xab: {  	[bflag:$0x3] =	sbarrier.arrive $0xFFFF  }
0xac: {  	_ =	shalt  }

</sc_bundles>
